<compile_context>
chip_gen: v7x
topology: tpu7x:2x2x1
jax: 0.10.2.dev20260603
libtpu: 0.0.44.dev20260713+nightly
codegen_flags: <defaults>
</compile_context>

<pallas_src>
import functools

import jax
import jax.numpy as jnp
from jax import lax
from jax.experimental import pallas as pl
from jax.experimental.pallas import tpu as pltpu
from jax.experimental.pallas import tpu_sc as plsc

E = 8
D = 768
T = 2048
BT = 256
BM = 256
P = T // BM
NLOG = P + E - 1

NC, NS = 2, 16
NW = NC * NS
TW = T // NW


def _tables_body(ins_ref, wbeta_ref, wgam_ref, be_ref, table2_ref, gam_ref):
    ins = ins_ref[0]
    m = jnp.mean(ins, axis=0, keepdims=True)
    beta = jnp.sum(wbeta_ref[0] * m, axis=1)
    gamma = jnp.sum(wgam_ref[0, 0] * m[0])
    table2_ref[0, 0, :] = gamma * be_ref[0, 0] + beta
    gam_ref[...] = jnp.full((1, 1, 128), gamma, dtype=jnp.float32)


def _compute_tables(Ins_tk, Wbeta, Wgam, be):
    return pl.pallas_call(
        _tables_body,
        grid=(E,),
        in_specs=[
            pl.BlockSpec((1, 32, D), lambda e: (0, 0, 0)),
            pl.BlockSpec((1, D, D), lambda e: (e, 0, 0)),
            pl.BlockSpec((1, 1, D), lambda e: (e, 0, 0)),
            pl.BlockSpec((1, 1, D), lambda e: (e, 0, 0)),
        ],
        out_specs=[
            pl.BlockSpec((1, 1, D), lambda e: (e, 0, 0)),
            pl.BlockSpec((1, 1, 128), lambda e: (e, 0, 0)),
        ],
        out_shape=[
            jax.ShapeDtypeStruct((E, 1, D), jnp.float32),
            jax.ShapeDtypeStruct((E, 1, 128), jnp.float32),
        ],
    )(Ins_tk, Wbeta, Wgam.reshape(E, 1, D), be.reshape(E, 1, D))


def _router_body(logits_ref, wrep_ref, pos_ref, tbl_ref):
    logits = logits_ref[...]
    mx = jnp.max(logits, axis=1, keepdims=True)
    w = 1.0 / jnp.sum(jnp.exp(logits - mx), axis=1, keepdims=True)
    eidx = jnp.argmax(logits, axis=1)
    wrep_ref[...] = jnp.broadcast_to(w, (T, 128))

    ii = lax.broadcasted_iota(jnp.int32, (BT, BT), 0)
    jj = lax.broadcasted_iota(jnp.int32, (BT, BT), 1)
    tri = (ii > jj).astype(jnp.bfloat16)
    ecols = lax.broadcasted_iota(jnp.int32, (BT, E), 1)
    hist = jnp.zeros((E,), jnp.float32)
    ranks, ohs = [], []
    for b in range(T // BT):
        oh = (ecols == eidx[b * BT:(b + 1) * BT, None]).astype(jnp.bfloat16)
        ohf = oh.astype(jnp.float32)
        r = lax.dot_general(tri, oh, (((1,), (0,)), ((), ())),
                            preferred_element_type=jnp.float32)
        ranks.append(r + hist[None, :])
        ohs.append(ohf)
        hist = hist + jnp.sum(ohf, axis=0)
    ee = lax.broadcasted_iota(jnp.int32, (E, E), 0)
    ff = lax.broadcasted_iota(jnp.int32, (E, E), 1)
    off = jnp.sum(jnp.where(ee < ff, hist[:, None], 0.0), axis=0)
    for b in range(T // BT):
        pos_b = jnp.sum((ranks[b] + off[None, :]) * ohs[b], axis=1)
        pos_ref[0, 0, b * BT:(b + 1) * BT] = pos_b.astype(jnp.int32)

    szi = hist.astype(jnp.int32)
    offi = off.astype(jnp.int32)
    endi = offi + szi
    t_lo = offi // BM
    t_hi = jnp.where(szi > 0, (endi - 1) // BM, t_lo - 1)
    n = t_hi - t_lo + 1
    starts = jnp.sum(jnp.where(ee < ff, n[:, None], 0), axis=0)
    total = jnp.sum(n)
    im = lax.broadcasted_iota(jnp.int32, (NLOG, E), 0)
    g = jnp.sum((starts[None, :] <= im).astype(jnp.int32), axis=1) - 1
    one_g = (lax.broadcasted_iota(jnp.int32, (NLOG, E), 1) == g[:, None])

    def _pick(v):
        return jnp.sum(jnp.where(one_g, v[None, :], 0), axis=1)

    i_1d = im[:, 0]
    phys = _pick(t_lo) + (i_1d - _pick(starts))
    valid = i_1d < total
    tp = jnp.where(valid, phys, P - 1)
    tg = g
    rlo = jnp.where(valid, jnp.maximum(_pick(offi), phys * BM), 0)
    rhi = jnp.where(valid, jnp.minimum(_pick(endi), (phys + 1) * BM), 0)
    rows = [jnp.pad(v, (0, 128 - NLOG))[None, :] for v in (tg, tp, rlo, rhi)]
    tbl_ref[...] = jnp.concatenate(rows, axis=0)


def _router(logits):
    return pl.pallas_call(
        _router_body,
        out_shape=[
            jax.ShapeDtypeStruct((T, 128), jnp.float32),
            jax.ShapeDtypeStruct((1, 1, T), jnp.int32),
            jax.ShapeDtypeStruct((4, 128), jnp.int32),
        ],
    )(logits)


def _scatter_body(xs_hbm, wrep_hbm, pos_hbm, xsort_hbm, wsort_hbm,
                  pos_v, rows_v, wrow_v, sem):
    wid = lax.axis_index("s") * NC + lax.axis_index("c")
    base = wid * TW
    pltpu.sync_copy(pos_hbm.at[pl.ds(base, TW)], pos_v)
    pltpu.sync_copy(xs_hbm.at[pl.ds(base, TW)], rows_v)
    pltpu.sync_copy(wrep_hbm.at[pl.ds(base, TW)], wrow_v)
    cp1 = pltpu.async_copy(rows_v, xsort_hbm.at[pos_v], sem)
    cp2 = pltpu.async_copy(wrow_v, wsort_hbm.at[pos_v], sem)
    cp1.wait()
    cp2.wait()


@functools.lru_cache(maxsize=None)
def _get_dispatch():
    mesh = plsc.VectorSubcoreMesh(core_axis_name="c", subcore_axis_name="s")
    return pl.kernel(
        _scatter_body,
        mesh=mesh,
        out_type=[
            jax.ShapeDtypeStruct((T, D), jnp.float32),
            jax.ShapeDtypeStruct((T, 128), jnp.float32),
        ],
        scratch_types=[
            pltpu.VMEM((TW,), jnp.int32),
            pltpu.VMEM((TW, D), jnp.float32),
            pltpu.VMEM((TW, 128), jnp.float32),
            pltpu.SemaphoreType.DMA,
        ],
    )


def _gmm_body(tg_ref, tp_ref, rlo_ref, rhi_ref,
              xs_ref, wsort_ref, we_ref, gam_ref, t2_ref, out_ref):
    i = pl.program_id(0)
    phys = tp_ref[i]
    lo = rlo_ref[i]
    hi = rhi_ref[i]
    rows = phys * BM + lax.broadcasted_iota(jnp.int32, (BM, 1), 0)
    mask = (rows >= lo) & (rows < hi)
    xm = jnp.where(mask, xs_ref[...], 0.0).astype(jnp.bfloat16)
    y = lax.dot_general(xm, we_ref[0].astype(jnp.bfloat16),
                        (((1,), (1,)), ((), ())),
                        preferred_element_type=jnp.float32)
    gamma = gam_ref[0, 0, 0]
    w_col = wsort_ref[:, 0:1]
    bias = jnp.where(mask, t2_ref[0, 0][None, :], 0.0)
    contrib = w_col * (gamma * y + bias)
    first = jnp.logical_or(i == 0, phys != tp_ref[jnp.maximum(i - 1, 0)])

    @pl.when(first)
    def _set():
        out_ref[...] = contrib

    @pl.when(jnp.logical_not(first))
    def _acc():
        out_ref[...] += contrib


def _grouped_matmul(tile_g, tile_p, row_lo, row_hi, xs_sorted, wsort,
                    We, gam, table2_3d):
    grid_spec = pltpu.PrefetchScalarGridSpec(
        num_scalar_prefetch=4,
        grid=(NLOG,),
        in_specs=[
            pl.BlockSpec((BM, D), lambda i, tg, tp, rlo, rhi: (tp[i], 0)),
            pl.BlockSpec((BM, 128), lambda i, tg, tp, rlo, rhi: (tp[i], 0)),
            pl.BlockSpec((1, D, D), lambda i, tg, tp, rlo, rhi: (tg[i], 0, 0)),
            pl.BlockSpec((1, 1, 128), lambda i, tg, tp, rlo, rhi: (tg[i], 0, 0)),
            pl.BlockSpec((1, 1, D), lambda i, tg, tp, rlo, rhi: (tg[i], 0, 0)),
        ],
        out_specs=pl.BlockSpec((BM, D), lambda i, tg, tp, rlo, rhi: (tp[i], 0)),
    )
    return pl.pallas_call(
        _gmm_body,
        grid_spec=grid_spec,
        out_shape=jax.ShapeDtypeStruct((T, D), jnp.float32),
    )(tile_g, tile_p, row_lo, row_hi, xs_sorted, wsort, We, gam,
      table2_3d)


def _gather_body(ysort_hbm, pos_hbm, out_hbm, pos_v, rows_v, sem):
    wid = lax.axis_index("s") * NC + lax.axis_index("c")
    base = wid * TW
    pltpu.sync_copy(pos_hbm.at[pl.ds(base, TW)], pos_v)
    pltpu.async_copy(ysort_hbm.at[pos_v], rows_v, sem).wait()
    pltpu.sync_copy(rows_v, out_hbm.at[pl.ds(base, TW)])


@functools.lru_cache(maxsize=None)
def _get_undispatch():
    mesh = plsc.VectorSubcoreMesh(core_axis_name="c", subcore_axis_name="s")
    return pl.kernel(
        _gather_body,
        mesh=mesh,
        out_type=jax.ShapeDtypeStruct((T, D), jnp.float32),
        scratch_types=[
            pltpu.VMEM((TW,), jnp.int32),
            pltpu.VMEM((TW, D), jnp.float32),
            pltpu.SemaphoreType.DMA,
        ],
    )


def kernel(x, Ins_tk, Wg, We, be, Wgam, Wbeta, Wr):
    B, C, L = x.shape
    xf = x.reshape(T, D)

    table2_3d, gam = _compute_tables(Ins_tk, Wbeta, Wgam, be)
    router_logits = xf @ Wg.T
    router_gamma = jnp.mean(Ins_tk @ Wr.T, axis=1)[0]
    logits = router_gamma + router_logits

    wrep, pos3, tbl = _router(logits)
    tile_g = tbl[0, :NLOG]
    tile_p = tbl[1, :NLOG]
    row_lo = tbl[2, :NLOG]
    row_hi = tbl[3, :NLOG]
    pos = pos3.reshape(T)

    xs_sorted, wsort = _get_dispatch()(xf, wrep, pos)
    ysorted = _grouped_matmul(tile_g, tile_p,
                              row_lo.astype(jnp.int32),
                              row_hi.astype(jnp.int32),
                              xs_sorted, wsort, We,
                              gam, table2_3d)
    out = _get_undispatch()(ysorted, pos)
    return out.reshape(B, C, D)

# --- scband reference (transcript-rebuilt; emitter-appended) ---
"""Pipeline reference for scband-mmlinear-p-25254407700651 (READ-ONLY COPY).

The authoritative reference and input builder live on the scoring server;
editing this copy changes nothing except your own understanding.
"""

import jax, jax.numpy as jnp
import numpy as np

E = 8
TOPK = 1
IN_LEN = 768
OUT_LEN = 768


def setup_inputs(seed: int = 0) -> dict:
    key = jax.random.key(seed)
    ks = jax.random.split(key, 8)
    x = jax.random.normal(ks[0], (1, 2048, IN_LEN), dtype=jnp.float32)
    Ins_tk = jax.random.normal(ks[1], (1, 32, OUT_LEN), dtype=jnp.float32)
    s_in = 1.0 / np.sqrt(IN_LEN)
    s_out = 1.0 / np.sqrt(OUT_LEN)
    Wg = jax.random.uniform(ks[2], (E, IN_LEN), minval=-s_in, maxval=s_in, dtype=jnp.float32)
    We = jax.random.uniform(ks[3], (E, OUT_LEN, IN_LEN), minval=-s_in, maxval=s_in, dtype=jnp.float32)
    be = jax.random.uniform(ks[4], (E, OUT_LEN), minval=-s_in, maxval=s_in, dtype=jnp.float32)
    Wgam = jax.random.uniform(ks[5], (E, OUT_LEN), minval=-s_out, maxval=s_out, dtype=jnp.float32)
    Wbeta = jax.random.uniform(ks[6], (E, OUT_LEN, OUT_LEN), minval=-s_out, maxval=s_out, dtype=jnp.float32)
    Wr = jax.random.uniform(ks[7], (E, OUT_LEN), minval=-s_out, maxval=s_out, dtype=jnp.float32)
    return {"x": x, "Ins_tk": Ins_tk, "Wg": Wg, "We": We, "be": be, "Wgam": Wgam, "Wbeta": Wbeta, "Wr": Wr}


def reference(x, Ins_tk, Wg, We, be, Wgam, Wbeta, Wr):
    B, C, L = x.shape
    xf = x.reshape(-1, IN_LEN)
    # Gate
    router_logits = xf @ Wg.T  # [T, E]
    # router modulator: mean over instruction tokens, take batch 0
    router_gamma = jnp.mean(Ins_tk @ Wr.T, axis=1)[0]  # [E]
    router_logits = router_gamma + router_logits
    routing_weights = jax.nn.softmax(router_logits.astype(jnp.float32), axis=1)
    routing_weights, selected_experts = jax.lax.top_k(routing_weights, TOPK)  # [T, k]
    # EiLM per-expert gammas (scalar) and betas (vector), computed from Ins_tk batch 0
    ins = Ins_tk[0]  # [N_i, OUT_LEN]
    gammas = jnp.mean(ins @ Wgam.T, axis=0)  # [E]
    betas = jnp.mean(jnp.einsum('nd,eod->eno', ins, Wbeta), axis=1)  # [E, OUT_LEN]
    # combine weights per expert: one-hot dispatch (equivalent to sparse index_add)
    onehot = jax.nn.one_hot(selected_experts, E, dtype=routing_weights.dtype)  # [T, k, E]
    comb = jnp.sum(routing_weights[..., None] * onehot, axis=1)  # [T, E]
    out = jnp.zeros((xf.shape[0], OUT_LEN), dtype=x.dtype)
    for e in range(E):
        y = xf @ We[e].T + be[e]
        y = gammas[e] * y + betas[e]
        out = out + comb[:, e:e + 1] * y
    return out.reshape(B, C, OUT_LEN)

if __name__ == "__main__":
    import jax
    _d = setup_inputs()
    print(jax.jit(kernel)(*tuple(_d.values())))

</pallas_src>

<mosaic_0001>
#map = affine_map<(d0, d1) -> (0, 0)>
#map1 = affine_map<(d0, d1) -> (0)>
module attributes {stable_mosaic.version = 14 : i64} {
  func.func @_scatter_body(%arg0: i32, %arg1: i32, %arg2: memref<2048x768xf32, #tpu.memory_space<hbm>>, %arg3: memref<2048x128xf32, #tpu.memory_space<hbm>>, %arg4: memref<2048xi32, #tpu.memory_space<hbm>>, %arg5: memref<2048x768xf32, #tpu.memory_space<hbm>>, %arg6: memref<2048x128xf32, #tpu.memory_space<hbm>>, %arg7: memref<64xi32, #tpu.memory_space<vmem>>, %arg8: memref<64x768xf32, #tpu.memory_space<vmem>>, %arg9: memref<64x128xf32, #tpu.memory_space<vmem>>, %arg10: memref<!tpu.dma_semaphore, #tpu.memory_space<semaphore_mem>>) attributes {dimension_semantics = [#tpu.dimension_semantics<core_parallel>, #tpu.dimension_semantics<subcore_parallel>], iteration_bounds = array<i64: 2, 16>, scalar_prefetch = 0 : i64, scratch_operands = 4 : i64, tpu.core_type = #tpu.core_type<sc_vector_subcore>, window_params = [{transform_indices = #map}, {transform_indices = #map}, {transform_indices = #map1}, {transform_indices = #map}, {transform_indices = #map}]} {
    %mul3A = arith.constant 2 : i32
    %mul3A_0 = arith.muli %arg1, %mul3A : i32
    %add3A = arith.addi %mul3A_0, %arg0 : i32
    %mul3A_1 = arith.constant 64 : i32
    %mul3A_2 = arith.muli %add3A, %mul3A_1 : i32
    "tpu.region"() ({
      %run_scoped3A = tpu.sem_alloc : memref<!tpu.dma_semaphore, #tpu.memory_space<semaphore_mem>>
      %dma_start3A_13 = tpu.memref_slice %arg4[%mul3A_2] : memref<2048xi32, #tpu.memory_space<hbm>> -> memref<64xi32, #tpu.memory_space<hbm>>
      %dma_start3A_14 = tpu.memref_slice %arg4[%mul3A_2] : memref<2048xi32, #tpu.memory_space<hbm>> -> memref<64xi32, #tpu.memory_space<hbm>>
      tpu.enqueue_dma source(%dma_start3A_14 : memref<64xi32, #tpu.memory_space<hbm>>) target(%arg7 : memref<64xi32, #tpu.memory_space<vmem>>) target_semaphore(%run_scoped3A : memref<!tpu.dma_semaphore, #tpu.memory_space<semaphore_mem>>)
      %dma_wait3A_15 = tpu.memref_slice %arg4[%mul3A_2] : memref<2048xi32, #tpu.memory_space<hbm>> -> memref<64xi32, #tpu.memory_space<hbm>>
      %dma_wait3A_16 = tpu.memref_slice %arg4[%mul3A_2] : memref<2048xi32, #tpu.memory_space<hbm>> -> memref<64xi32, #tpu.memory_space<hbm>>
      tpu.wait_dma2 semaphore(%run_scoped3A : memref<!tpu.dma_semaphore, #tpu.memory_space<semaphore_mem>>) src(%dma_wait3A_16 : memref<64xi32, #tpu.memory_space<hbm>>) dst(%arg7 : memref<64xi32, #tpu.memory_space<vmem>>)
      tpu.yield
    }) : () -> ()
    "tpu.region"() ({
      %run_scoped3A = tpu.sem_alloc : memref<!tpu.dma_semaphore, #tpu.memory_space<semaphore_mem>>
      %dma_start3A_13 = arith.constant 0 : i32
      %dma_start3A_14 = tpu.memref_slice %arg2[%mul3A_2, %dma_start3A_13] : memref<2048x768xf32, #tpu.memory_space<hbm>> -> memref<64x768xf32, #tpu.memory_space<hbm>>
      %dma_start3A_15 = arith.constant 0 : i32
      %dma_start3A_16 = tpu.memref_slice %arg2[%mul3A_2, %dma_start3A_15] : memref<2048x768xf32, #tpu.memory_space<hbm>> -> memref<64x768xf32, #tpu.memory_space<hbm>>
      tpu.enqueue_dma source(%dma_start3A_16 : memref<64x768xf32, #tpu.memory_space<hbm>>) target(%arg8 : memref<64x768xf32, #tpu.memory_space<vmem>>) target_semaphore(%run_scoped3A : memref<!tpu.dma_semaphore, #tpu.memory_space<semaphore_mem>>)
      %dma_wait3A_17 = arith.constant 0 : i32
      %dma_wait3A_18 = tpu.memref_slice %arg2[%mul3A_2, %dma_wait3A_17] : memref<2048x768xf32, #tpu.memory_space<hbm>> -> memref<64x768xf32, #tpu.memory_space<hbm>>
      %dma_wait3A_19 = arith.constant 0 : i32
      %dma_wait3A_20 = tpu.memref_slice %arg2[%mul3A_2, %dma_wait3A_19] : memref<2048x768xf32, #tpu.memory_space<hbm>> -> memref<64x768xf32, #tpu.memory_space<hbm>>
      tpu.wait_dma2 semaphore(%run_scoped3A : memref<!tpu.dma_semaphore, #tpu.memory_space<semaphore_mem>>) src(%dma_wait3A_20 : memref<64x768xf32, #tpu.memory_space<hbm>>) dst(%arg8 : memref<64x768xf32, #tpu.memory_space<vmem>>)
      tpu.yield
    }) : () -> ()
    "tpu.region"() ({
      %run_scoped3A = tpu.sem_alloc : memref<!tpu.dma_semaphore, #tpu.memory_space<semaphore_mem>>
      %dma_start3A_13 = arith.constant 0 : i32
      %dma_start3A_14 = tpu.memref_slice %arg3[%mul3A_2, %dma_start3A_13] : memref<2048x128xf32, #tpu.memory_space<hbm>> -> memref<64x128xf32, #tpu.memory_space<hbm>>
      %dma_start3A_15 = arith.constant 0 : i32
      %dma_start3A_16 = tpu.memref_slice %arg3[%mul3A_2, %dma_start3A_15] : memref<2048x128xf32, #tpu.memory_space<hbm>> -> memref<64x128xf32, #tpu.memory_space<hbm>>
      tpu.enqueue_dma source(%dma_start3A_16 : memref<64x128xf32, #tpu.memory_space<hbm>>) target(%arg9 : memref<64x128xf32, #tpu.memory_space<vmem>>) target_semaphore(%run_scoped3A : memref<!tpu.dma_semaphore, #tpu.memory_space<semaphore_mem>>)
      %dma_wait3A_17 = arith.constant 0 : i32
      %dma_wait3A_18 = tpu.memref_slice %arg3[%mul3A_2, %dma_wait3A_17] : memref<2048x128xf32, #tpu.memory_space<hbm>> -> memref<64x128xf32, #tpu.memory_space<hbm>>
      %dma_wait3A_19 = arith.constant 0 : i32
      %dma_wait3A_20 = tpu.memref_slice %arg3[%mul3A_2, %dma_wait3A_19] : memref<2048x128xf32, #tpu.memory_space<hbm>> -> memref<64x128xf32, #tpu.memory_space<hbm>>
      tpu.wait_dma2 semaphore(%run_scoped3A : memref<!tpu.dma_semaphore, #tpu.memory_space<semaphore_mem>>) src(%dma_wait3A_20 : memref<64x128xf32, #tpu.memory_space<hbm>>) dst(%arg9 : memref<64x128xf32, #tpu.memory_space<vmem>>)
      tpu.yield
    }) : () -> ()
    %dma_start3A = arith.constant 0 : i32
    %dma_start3A_3 = arith.constant 0 : i32
    %dma_start3A_4 = tpu.memref_slice %arg5[%dma_start3A, %dma_start3A_3] : memref<2048x768xf32, #tpu.memory_space<hbm>> -> memref<2048x768xf32, #tpu.memory_space<hbm>>
    tpu.enqueue_indirect_dma source(%arg8 : memref<64x768xf32, #tpu.memory_space<vmem>>) target(%dma_start3A_4 : memref<2048x768xf32, #tpu.memory_space<hbm>>) offsets(%arg7 : memref<64xi32, #tpu.memory_space<vmem>>) semaphore(%arg10 : memref<!tpu.dma_semaphore, #tpu.memory_space<semaphore_mem>>)
    %dma_start3A_5 = arith.constant 0 : i32
    %dma_start3A_6 = arith.constant 0 : i32
    %dma_start3A_7 = tpu.memref_slice %arg6[%dma_start3A_5, %dma_start3A_6] : memref<2048x128xf32, #tpu.memory_space<hbm>> -> memref<2048x128xf32, #tpu.memory_space<hbm>>
    tpu.enqueue_indirect_dma source(%arg9 : memref<64x128xf32, #tpu.memory_space<vmem>>) target(%dma_start3A_7 : memref<2048x128xf32, #tpu.memory_space<hbm>>) offsets(%arg7 : memref<64xi32, #tpu.memory_space<vmem>>) semaphore(%arg10 : memref<!tpu.dma_semaphore, #tpu.memory_space<semaphore_mem>>)
    %dma_wait3A = arith.constant 0 : i32
    %dma_wait3A_8 = arith.constant 0 : i32
    %dma_wait3A_9 = tpu.memref_slice %arg5[%dma_wait3A, %dma_wait3A_8] : memref<2048x768xf32, #tpu.memory_space<hbm>> -> memref<2048x768xf32, #tpu.memory_space<hbm>>
    tpu.wait_indirect_dma semaphore(%arg10 : memref<!tpu.dma_semaphore, #tpu.memory_space<semaphore_mem>>) src(%arg8 : memref<64x768xf32, #tpu.memory_space<vmem>>) dst(%dma_wait3A_9 : memref<2048x768xf32, #tpu.memory_space<hbm>>)
    %dma_wait3A_10 = arith.constant 0 : i32
    %dma_wait3A_11 = arith.constant 0 : i32
    %dma_wait3A_12 = tpu.memref_slice %arg6[%dma_wait3A_10, %dma_wait3A_11] : memref<2048x128xf32, #tpu.memory_space<hbm>> -> memref<2048x128xf32, #tpu.memory_space<hbm>>
    tpu.wait_indirect_dma semaphore(%arg10 : memref<!tpu.dma_semaphore, #tpu.memory_space<semaphore_mem>>) src(%arg9 : memref<64x128xf32, #tpu.memory_space<vmem>>) dst(%dma_wait3A_12 : memref<2048x128xf32, #tpu.memory_space<hbm>>)
    return
  }
}

#map = affine_map<(d0, d1) -> (0, 0)>
#map1 = affine_map<(d0, d1) -> (0)>
module attributes {stable_mosaic.version = 14 : i64} {
  func.func @_gather_body(%arg0: i32, %arg1: i32, %arg2: memref<2048x768xf32, #tpu.memory_space<hbm>>, %arg3: memref<2048xi32, #tpu.memory_space<hbm>>, %arg4: memref<2048x768xf32, #tpu.memory_space<hbm>>, %arg5: memref<64xi32, #tpu.memory_space<vmem>>, %arg6: memref<64x768xf32, #tpu.memory_space<vmem>>, %arg7: memref<!tpu.dma_semaphore, #tpu.memory_space<semaphore_mem>>) attributes {dimension_semantics = [#tpu.dimension_semantics<core_parallel>, #tpu.dimension_semantics<subcore_parallel>], iteration_bounds = array<i64: 2, 16>, scalar_prefetch = 0 : i64, scratch_operands = 3 : i64, tpu.core_type = #tpu.core_type<sc_vector_subcore>, window_params = [{transform_indices = #map}, {transform_indices = #map1}, {transform_indices = #map}]} {
    %mul3A = arith.constant 2 : i32
    %mul3A_0 = arith.muli %arg1, %mul3A : i32
    %add3A = arith.addi %mul3A_0, %arg0 : i32
    %mul3A_1 = arith.constant 64 : i32
    %mul3A_2 = arith.muli %add3A, %mul3A_1 : i32
    "tpu.region"() ({
      %run_scoped3A = tpu.sem_alloc : memref<!tpu.dma_semaphore, #tpu.memory_space<semaphore_mem>>
      %dma_start3A_7 = tpu.memref_slice %arg3[%mul3A_2] : memref<2048xi32, #tpu.memory_space<hbm>> -> memref<64xi32, #tpu.memory_space<hbm>>
      %dma_start3A_8 = tpu.memref_slice %arg3[%mul3A_2] : memref<2048xi32, #tpu.memory_space<hbm>> -> memref<64xi32, #tpu.memory_space<hbm>>
      tpu.enqueue_dma source(%dma_start3A_8 : memref<64xi32, #tpu.memory_space<hbm>>) target(%arg5 : memref<64xi32, #tpu.memory_space<vmem>>) target_semaphore(%run_scoped3A : memref<!tpu.dma_semaphore, #tpu.memory_space<semaphore_mem>>)
      %dma_wait3A_9 = tpu.memref_slice %arg3[%mul3A_2] : memref<2048xi32, #tpu.memory_space<hbm>> -> memref<64xi32, #tpu.memory_space<hbm>>
      %dma_wait3A_10 = tpu.memref_slice %arg3[%mul3A_2] : memref<2048xi32, #tpu.memory_space<hbm>> -> memref<64xi32, #tpu.memory_space<hbm>>
      tpu.wait_dma2 semaphore(%run_scoped3A : memref<!tpu.dma_semaphore, #tpu.memory_space<semaphore_mem>>) src(%dma_wait3A_10 : memref<64xi32, #tpu.memory_space<hbm>>) dst(%arg5 : memref<64xi32, #tpu.memory_space<vmem>>)
      tpu.yield
    }) : () -> ()
    %dma_start3A = arith.constant 0 : i32
    %dma_start3A_3 = arith.constant 0 : i32
    %dma_start3A_4 = tpu.memref_slice %arg2[%dma_start3A, %dma_start3A_3] : memref<2048x768xf32, #tpu.memory_space<hbm>> -> memref<2048x768xf32, #tpu.memory_space<hbm>>
    tpu.enqueue_indirect_dma source(%dma_start3A_4 : memref<2048x768xf32, #tpu.memory_space<hbm>>) target(%arg6 : memref<64x768xf32, #tpu.memory_space<vmem>>) offsets(%arg5 : memref<64xi32, #tpu.memory_space<vmem>>) semaphore(%arg7 : memref<!tpu.dma_semaphore, #tpu.memory_space<semaphore_mem>>)
    %dma_wait3A = arith.constant 0 : i32
    %dma_wait3A_5 = arith.constant 0 : i32
    %dma_wait3A_6 = tpu.memref_slice %arg2[%dma_wait3A, %dma_wait3A_5] : memref<2048x768xf32, #tpu.memory_space<hbm>> -> memref<2048x768xf32, #tpu.memory_space<hbm>>
    tpu.wait_indirect_dma semaphore(%arg7 : memref<!tpu.dma_semaphore, #tpu.memory_space<semaphore_mem>>) src(%dma_wait3A_6 : memref<2048x768xf32, #tpu.memory_space<hbm>>) dst(%arg6 : memref<64x768xf32, #tpu.memory_space<vmem>>)
    "tpu.region"() ({
      %run_scoped3A = tpu.sem_alloc : memref<!tpu.dma_semaphore, #tpu.memory_space<semaphore_mem>>
      %dma_start3A_7 = arith.constant 0 : i32
      %dma_start3A_8 = tpu.memref_slice %arg4[%mul3A_2, %dma_start3A_7] : memref<2048x768xf32, #tpu.memory_space<hbm>> -> memref<64x768xf32, #tpu.memory_space<hbm>>
      %dma_start3A_9 = arith.constant 0 : i32
      %dma_start3A_10 = tpu.memref_slice %arg4[%mul3A_2, %dma_start3A_9] : memref<2048x768xf32, #tpu.memory_space<hbm>> -> memref<64x768xf32, #tpu.memory_space<hbm>>
      tpu.enqueue_dma source(%arg6 : memref<64x768xf32, #tpu.memory_space<vmem>>) target(%dma_start3A_10 : memref<64x768xf32, #tpu.memory_space<hbm>>) target_semaphore(%run_scoped3A : memref<!tpu.dma_semaphore, #tpu.memory_space<semaphore_mem>>)
      %dma_wait3A_11 = arith.constant 0 : i32
      %dma_wait3A_12 = tpu.memref_slice %arg4[%mul3A_2, %dma_wait3A_11] : memref<2048x768xf32, #tpu.memory_space<hbm>> -> memref<64x768xf32, #tpu.memory_space<hbm>>
      %dma_wait3A_13 = arith.constant 0 : i32
      %dma_wait3A_14 = tpu.memref_slice %arg4[%mul3A_2, %dma_wait3A_13] : memref<2048x768xf32, #tpu.memory_space<hbm>> -> memref<64x768xf32, #tpu.memory_space<hbm>>
      tpu.wait_dma2 semaphore(%run_scoped3A : memref<!tpu.dma_semaphore, #tpu.memory_space<semaphore_mem>>) src(%arg6 : memref<64x768xf32, #tpu.memory_space<vmem>>) dst(%dma_wait3A_14 : memref<64x768xf32, #tpu.memory_space<hbm>>)
      tpu.yield
    }) : () -> ()
    return
  }
}

module attributes {stable_mosaic.version = 14 : i64} {
  func.func @_router_body(%arg0: memref<2048x8xf32, #tpu.memory_space<vmem>>, %arg1: memref<2048x128xf32, #tpu.memory_space<vmem>>, %arg2: memref<1x1x2048xi32, #tpu.memory_space<vmem>>, %arg3: memref<4x128xi32, #tpu.memory_space<vmem>>) attributes {dimension_semantics = [], scalar_prefetch = 0 : i64, scratch_operands = 0 : i64, tpu.core_type = #tpu.core_type<tc>} {
    %get3A = arith.constant 0 : index
    %get3A_0 = arith.constant 0 : index
    %get3A_1 = vector.load %arg0[%get3A, %get3A_0] : memref<2048x8xf32, #tpu.memory_space<vmem>>, vector<2048x8xf32>
    %reduce_max3A = arith.constant dense<0xFF800000> : vector<2048xf32>
    %reduce_max3A_2 = vector.multi_reduction <maximumf>, %get3A_1, %reduce_max3A [1] : vector<2048x8xf32> to vector<2048xf32>
    %broadcast_in_dim3A = vector.shape_cast %reduce_max3A_2 : vector<2048xf32> to vector<2048x1xf32>
    %sub3A = vector.broadcast %broadcast_in_dim3A : vector<2048x1xf32> to vector<2048x8xf32>
    %sub3A_3 = arith.subf %get3A_1, %sub3A : vector<2048x8xf32>
    %exp3A = math.exp %sub3A_3 : vector<2048x8xf32>
    %reduce_sum3A = arith.constant dense<0.000000e+00> : vector<2048xf32>
    %reduce_sum3A_4 = vector.multi_reduction <add>, %exp3A, %reduce_sum3A [1] : vector<2048x8xf32> to vector<2048xf32>
    %broadcast_in_dim3A_5 = vector.shape_cast %reduce_sum3A_4 : vector<2048xf32> to vector<2048x1xf32>
    %div3A = arith.constant 1.000000e+00 : f32
    %div3A_6 = vector.broadcast %div3A : f32 to vector<2048x1xf32>
    %div3A_7 = arith.divf %div3A_6, %broadcast_in_dim3A_5 : vector<2048x1xf32>
    %argmax3A = tpu.reduce_index %get3A_1 {axis = 1 : i32, kind = #tpu.reduction_kind<arg_max>} : vector<2048x8xf32> -> vector<2048xi32>
    %broadcast_in_dim3A_8 = vector.shape_cast %div3A_7 : vector<2048x1xf32> to vector<2048x1xf32>
    %broadcast_in_dim3A_9 = vector.broadcast %broadcast_in_dim3A_8 : vector<2048x1xf32> to vector<2048x128xf32>
    %swap3A = arith.constant 0 : index
    %swap3A_10 = arith.constant 0 : index
    %swap3A_11 = vector.load %arg1[%swap3A, %swap3A_10] : memref<2048x128xf32, #tpu.memory_space<vmem>>, vector<2048x128xf32>
    tpu.vector_store %arg1[%swap3A, %swap3A_10], %broadcast_in_dim3A_9 {strides = array<i32>} : memref<2048x128xf32, #tpu.memory_space<vmem>>, vector<2048x128xf32>,
    %iota3A = tpu.iota {dimensions = array<i32: 0>} : vector<256x256xi32>
    %iota3A_12 = tpu.iota {dimensions = array<i32: 1>} : vector<256x256xi32>
    %gt3A = arith.cmpi sgt, %iota3A, %iota3A_12 : vector<256x256xi32>
    %convert_element_type3A = arith.extui %gt3A : vector<256x256xi1> to vector<256x256xi32>
    %convert_element_type3A_13 = arith.sitofp %convert_element_type3A : vector<256x256xi32> to vector<256x256xf32>
    %convert_element_type3A_14 = arith.truncf %convert_element_type3A_13 : vector<256x256xf32> to vector<256x256xbf16>
    %iota3A_15 = tpu.iota {dimensions = array<i32: 1>} : vector<256x8xi32>
    %broadcast_in_dim3A_16 = arith.constant 0.000000e+00 : f32
    %broadcast_in_dim3A_17 = vector.broadcast %broadcast_in_dim3A_16 : f32 to vector<8xf32>
    %slice3A = vector.extract_strided_slice %argmax3A {offsets = [0], sizes = [256], strides = [1]} : vector<2048xi32> to vector<256xi32>
    %broadcast_in_dim3A_18 = vector.shape_cast %slice3A : vector<256xi32> to vector<256x1xi32>
    %eq3A = vector.broadcast %broadcast_in_dim3A_18 : vector<256x1xi32> to vector<256x8xi32>
    %eq3A_19 = arith.cmpi eq, %iota3A_15, %eq3A : vector<256x8xi32>
    %convert_element_type3A_20 = arith.extui %eq3A_19 : vector<256x8xi1> to vector<256x8xi32>
    %convert_element_type3A_21 = arith.sitofp %convert_element_type3A_20 : vector<256x8xi32> to vector<256x8xf32>
    %convert_element_type3A_22 = arith.truncf %convert_element_type3A_21 : vector<256x8xf32> to vector<256x8xbf16>
    %convert_element_type3A_23 = arith.extf %convert_element_type3A_22 : vector<256x8xbf16> to vector<256x8xf32>
    %dot_general3A = arith.constant dense<0.000000e+00> : vector<256x8xf32>
    %dot_general3A_24 = tpu.matmul %convert_element_type3A_14, %convert_element_type3A_22, %dot_general3A {dimension_numbers = #tpu.dot_dimension_numbers<[1], [0], [0], [1], [0, 0, 1, 1], [], []>, transpose_lhs_hint = false} : vector<256x256xbf16>, vector<256x8xbf16>, vector<256x8xf32> -> vector<256x8xf32>
    %broadcast_in_dim3A_25 = vector.shape_cast %broadcast_in_dim3A_17 : vector<8xf32> to vector<1x8xf32>
    %add3A = vector.broadcast %broadcast_in_dim3A_25 : vector<1x8xf32> to vector<256x8xf32>
    %add3A_26 = arith.addf %dot_general3A_24, %add3A : vector<256x8xf32>
    %reduce_sum3A_27 = arith.constant dense<0.000000e+00> : vector<8xf32>
    %reduce_sum3A_28 = vector.multi_reduction <add>, %convert_element_type3A_23, %reduce_sum3A_27 [0] : vector<256x8xf32> to vector<8xf32>
    %add3A_29 = arith.addf %broadcast_in_dim3A_17, %reduce_sum3A_28 : vector<8xf32>
    %slice3A_30 = vector.extract_strided_slice %argmax3A {offsets = [256], sizes = [256], strides = [1]} : vector<2048xi32> to vector<256xi32>
    %broadcast_in_dim3A_31 = vector.shape_cast %slice3A_30 : vector<256xi32> to vector<256x1xi32>
    %eq3A_32 = vector.broadcast %broadcast_in_dim3A_31 : vector<256x1xi32> to vector<256x8xi32>
    %eq3A_33 = arith.cmpi eq, %iota3A_15, %eq3A_32 : vector<256x8xi32>
    %convert_element_type3A_34 = arith.extui %eq3A_33 : vector<256x8xi1> to vector<256x8xi32>
    %convert_element_type3A_35 = arith.sitofp %convert_element_type3A_34 : vector<256x8xi32> to vector<256x8xf32>
    %convert_element_type3A_36 = arith.truncf %convert_element_type3A_35 : vector<256x8xf32> to vector<256x8xbf16>
    %convert_element_type3A_37 = arith.extf %convert_element_type3A_36 : vector<256x8xbf16> to vector<256x8xf32>
    %dot_general3A_38 = arith.constant dense<0.000000e+00> : vector<256x8xf32>
    %dot_general3A_39 = tpu.matmul %convert_element_type3A_14, %convert_element_type3A_36, %dot_general3A_38 {dimension_numbers = #tpu.dot_dimension_numbers<[1], [0], [0], [1], [0, 0, 1, 1], [], []>, transpose_lhs_hint = false} : vector<256x256xbf16>, vector<256x8xbf16>, vector<256x8xf32> -> vector<256x8xf32>
    %broadcast_in_dim3A_40 = vector.shape_cast %add3A_29 : vector<8xf32> to vector<1x8xf32>
    %add3A_41 = vector.broadcast %broadcast_in_dim3A_40 : vector<1x8xf32> to vector<256x8xf32>
    %add3A_42 = arith.addf %dot_general3A_39, %add3A_41 : vector<256x8xf32>
    %reduce_sum3A_43 = arith.constant dense<0.000000e+00> : vector<8xf32>
    %reduce_sum3A_44 = vector.multi_reduction <add>, %convert_element_type3A_37, %reduce_sum3A_43 [0] : vector<256x8xf32> to vector<8xf32>
    %add3A_45 = arith.addf %add3A_29, %reduce_sum3A_44 : vector<8xf32>
    %slice3A_46 = vector.extract_strided_slice %argmax3A {offsets = [512], sizes = [256], strides = [1]} : vector<2048xi32> to vector<256xi32>
    %broadcast_in_dim3A_47 = vector.shape_cast %slice3A_46 : vector<256xi32> to vector<256x1xi32>
    %eq3A_48 = vector.broadcast %broadcast_in_dim3A_47 : vector<256x1xi32> to vector<256x8xi32>
    %eq3A_49 = arith.cmpi eq, %iota3A_15, %eq3A_48 : vector<256x8xi32>
    %convert_element_type3A_50 = arith.extui %eq3A_49 : vector<256x8xi1> to vector<256x8xi32>
    %convert_element_type3A_51 = arith.sitofp %convert_element_type3A_50 : vector<256x8xi32> to vector<256x8xf32>
    %convert_element_type3A_52 = arith.truncf %convert_element_type3A_51 : vector<256x8xf32> to vector<256x8xbf16>
    %convert_element_type3A_53 = arith.extf %convert_element_type3A_52 : vector<256x8xbf16> to vector<256x8xf32>
    %dot_general3A_54 = arith.constant dense<0.000000e+00> : vector<256x8xf32>
    %dot_general3A_55 = tpu.matmul %convert_element_type3A_14, %convert_element_type3A_52, %dot_general3A_54 {dimension_numbers = #tpu.dot_dimension_numbers<[1], [0], [0], [1], [0, 0, 1, 1], [], []>, transpose_lhs_hint = false} : vector<256x256xbf16>, vector<256x8xbf16>, vector<256x8xf32> -> vector<256x8xf32>
    %broadcast_in_dim3A_56 = vector.shape_cast %add3A_45 : vector<8xf32> to vector<1x8xf32>
    %add3A_57 = vector.broadcast %broadcast_in_dim3A_56 : vector<1x8xf32> to vector<256x8xf32>
    %add3A_58 = arith.addf %dot_general3A_55, %add3A_57 : vector<256x8xf32>
    %reduce_sum3A_59 = arith.constant dense<0.000000e+00> : vector<8xf32>
    %reduce_sum3A_60 = vector.multi_reduction <add>, %convert_element_type3A_53, %reduce_sum3A_59 [0] : vector<256x8xf32> to vector<8xf32>
    %add3A_61 = arith.addf %add3A_45, %reduce_sum3A_60 : vector<8xf32>
    %slice3A_62 = vector.extract_strided_slice %argmax3A {offsets = [768], sizes = [256], strides = [1]} : vector<2048xi32> to vector<256xi32>
    %broadcast_in_dim3A_63 = vector.shape_cast %slice3A_62 : vector<256xi32> to vector<256x1xi32>
    %eq3A_64 = vector.broadcast %broadcast_in_dim3A_63 : vector<256x1xi32> to vector<256x8xi32>
    %eq3A_65 = arith.cmpi eq, %iota3A_15, %eq3A_64 : vector<256x8xi32>
    %convert_element_type3A_66 = arith.extui %eq3A_65 : vector<256x8xi1> to vector<256x8xi32>
    %convert_element_type3A_67 = arith.sitofp %convert_element_type3A_66 : vector<256x8xi32> to vector<256x8xf32>
    %convert_element_type3A_68 = arith.truncf %convert_element_type3A_67 : vector<256x8xf32> to vector<256x8xbf16>
    %convert_element_type3A_69 = arith.extf %convert_element_type3A_68 : vector<256x8xbf16> to vector<256x8xf32>
    %dot_general3A_70 = arith.constant dense<0.000000e+00> : vector<256x8xf32>
    %dot_general3A_71 = tpu.matmul %convert_element_type3A_14, %convert_element_type3A_68, %dot_general3A_70 {dimension_numbers = #tpu.dot_dimension_numbers<[1], [0], [0], [1], [0, 0, 1, 1], [], []>, transpose_lhs_hint = false} : vector<256x256xbf16>, vector<256x8xbf16>, vector<256x8xf32> -> vector<256x8xf32>
    %broadcast_in_dim3A_72 = vector.shape_cast %add3A_61 : vector<8xf32> to vector<1x8xf32>
    %add3A_73 = vector.broadcast %broadcast_in_dim3A_72 : vector<1x8xf32> to vector<256x8xf32>
    %add3A_74 = arith.addf %dot_general3A_71, %add3A_73 : vector<256x8xf32>
    %reduce_sum3A_75 = arith.constant dense<0.000000e+00> : vector<8xf32>
    %reduce_sum3A_76 = vector.multi_reduction <add>, %convert_element_type3A_69, %reduce_sum3A_75 [0] : vector<256x8xf32> to vector<8xf32>
    %add3A_77 = arith.addf %add3A_61, %reduce_sum3A_76 : vector<8xf32>
    %slice3A_78 = vector.extract_strided_slice %argmax3A {offsets = [1024], sizes = [256], strides = [1]} : vector<2048xi32> to vector<256xi32>
    %broadcast_in_dim3A_79 = vector.shape_cast %slice3A_78 : vector<256xi32> to vector<256x1xi32>
    %eq3A_80 = vector.broadcast %broadcast_in_dim3A_79 : vector<256x1xi32> to vector<256x8xi32>
    %eq3A_81 = arith.cmpi eq, %iota3A_15, %eq3A_80 : vector<256x8xi32>
    %convert_element_type3A_82 = arith.extui %eq3A_81 : vector<256x8xi1> to vector<256x8xi32>
    %convert_element_type3A_83 = arith.sitofp %convert_element_type3A_82 : vector<256x8xi32> to vector<256x8xf32>
    %convert_element_type3A_84 = arith.truncf %convert_element_type3A_83 : vector<256x8xf32> to vector<256x8xbf16>
    %convert_element_type3A_85 = arith.extf %convert_element_type3A_84 : vector<256x8xbf16> to vector<256x8xf32>
    %dot_general3A_86 = arith.constant dense<0.000000e+00> : vector<256x8xf32>
    %dot_general3A_87 = tpu.matmul %convert_element_type3A_14, %convert_element_type3A_84, %dot_general3A_86 {dimension_numbers = #tpu.dot_dimension_numbers<[1], [0], [0], [1], [0, 0, 1, 1], [], []>, transpose_lhs_hint = false} : vector<256x256xbf16>, vector<256x8xbf16>, vector<256x8xf32> -> vector<256x8xf32>
    %broadcast_in_dim3A_88 = vector.shape_cast %add3A_77 : vector<8xf32> to vector<1x8xf32>
    %add3A_89 = vector.broadcast %broadcast_in_dim3A_88 : vector<1x8xf32> to vector<256x8xf32>
    %add3A_90 = arith.addf %dot_general3A_87, %add3A_89 : vector<256x8xf32>
    %reduce_sum3A_91 = arith.constant dense<0.000000e+00> : vector<8xf32>
    %reduce_sum3A_92 = vector.multi_reduction <add>, %convert_element_type3A_85, %reduce_sum3A_91 [0] : vector<256x8xf32> to vector<8xf32>
    %add3A_93 = arith.addf %add3A_77, %reduce_sum3A_92 : vector<8xf32>
    %slice3A_94 = vector.extract_strided_slice %argmax3A {offsets = [1280], sizes = [256], strides = [1]} : vector<2048xi32> to vector<256xi32>
    %broadcast_in_dim3A_95 = vector.shape_cast %slice3A_94 : vector<256xi32> to vector<256x1xi32>
    %eq3A_96 = vector.broadcast %broadcast_in_dim3A_95 : vector<256x1xi32> to vector<256x8xi32>
    %eq3A_97 = arith.cmpi eq, %iota3A_15, %eq3A_96 : vector<256x8xi32>
    %convert_element_type3A_98 = arith.extui %eq3A_97 : vector<256x8xi1> to vector<256x8xi32>
    %convert_element_type3A_99 = arith.sitofp %convert_element_type3A_98 : vector<256x8xi32> to vector<256x8xf32>
    %convert_element_type3A_100 = arith.truncf %convert_element_type3A_99 : vector<256x8xf32> to vector<256x8xbf16>
    %convert_element_type3A_101 = arith.extf %convert_element_type3A_100 : vector<256x8xbf16> to vector<256x8xf32>
    %dot_general3A_102 = arith.constant dense<0.000000e+00> : vector<256x8xf32>
    %dot_general3A_103 = tpu.matmul %convert_element_type3A_14, %convert_element_type3A_100, %dot_general3A_102 {dimension_numbers = #tpu.dot_dimension_numbers<[1], [0], [0], [1], [0, 0, 1, 1], [], []>, transpose_lhs_hint = false} : vector<256x256xbf16>, vector<256x8xbf16>, vector<256x8xf32> -> vector<256x8xf32>
    %broadcast_in_dim3A_104 = vector.shape_cast %add3A_93 : vector<8xf32> to vector<1x8xf32>
    %add3A_105 = vector.broadcast %broadcast_in_dim3A_104 : vector<1x8xf32> to vector<256x8xf32>
    %add3A_106 = arith.addf %dot_general3A_103, %add3A_105 : vector<256x8xf32>
    %reduce_sum3A_107 = arith.constant dense<0.000000e+00> : vector<8xf32>
    %reduce_sum3A_108 = vector.multi_reduction <add>, %convert_element_type3A_101, %reduce_sum3A_107 [0] : vector<256x8xf32> to vector<8xf32>
    %add3A_109 = arith.addf %add3A_93, %reduce_sum3A_108 : vector<8xf32>
    %slice3A_110 = vector.extract_strided_slice %argmax3A {offsets = [1536], sizes = [256], strides = [1]} : vector<2048xi32> to vector<256xi32>
    %broadcast_in_dim3A_111 = vector.shape_cast %slice3A_110 : vector<256xi32> to vector<256x1xi32>
    %eq3A_112 = vector.broadcast %broadcast_in_dim3A_111 : vector<256x1xi32> to vector<256x8xi32>
    %eq3A_113 = arith.cmpi eq, %iota3A_15, %eq3A_112 : vector<256x8xi32>
    %convert_element_type3A_114 = arith.extui %eq3A_113 : vector<256x8xi1> to vector<256x8xi32>
    %convert_element_type3A_115 = arith.sitofp %convert_element_type3A_114 : vector<256x8xi32> to vector<256x8xf32>
    %convert_element_type3A_116 = arith.truncf %convert_element_type3A_115 : vector<256x8xf32> to vector<256x8xbf16>
    %convert_element_type3A_117 = arith.extf %convert_element_type3A_116 : vector<256x8xbf16> to vector<256x8xf32>
    %dot_general3A_118 = arith.constant dense<0.000000e+00> : vector<256x8xf32>
    %dot_general3A_119 = tpu.matmul %convert_element_type3A_14, %convert_element_type3A_116, %dot_general3A_118 {dimension_numbers = #tpu.dot_dimension_numbers<[1], [0], [0], [1], [0, 0, 1, 1], [], []>, transpose_lhs_hint = false} : vector<256x256xbf16>, vector<256x8xbf16>, vector<256x8xf32> -> vector<256x8xf32>
    %broadcast_in_dim3A_120 = vector.shape_cast %add3A_109 : vector<8xf32> to vector<1x8xf32>
    %add3A_121 = vector.broadcast %broadcast_in_dim3A_120 : vector<1x8xf32> to vector<256x8xf32>
    %add3A_122 = arith.addf %dot_general3A_119, %add3A_121 : vector<256x8xf32>
    %reduce_sum3A_123 = arith.constant dense<0.000000e+00> : vector<8xf32>
    %reduce_sum3A_124 = vector.multi_reduction <add>, %convert_element_type3A_117, %reduce_sum3A_123 [0] : vector<256x8xf32> to vector<8xf32>
    %add3A_125 = arith.addf %add3A_109, %reduce_sum3A_124 : vector<8xf32>
    %slice3A_126 = vector.extract_strided_slice %argmax3A {offsets = [1792], sizes = [256], strides = [1]} : vector<2048xi32> to vector<256xi32>
    %broadcast_in_dim3A_127 = vector.shape_cast %slice3A_126 : vector<256xi32> to vector<256x1xi32>
    %eq3A_128 = vector.broadcast %broadcast_in_dim3A_127 : vector<256x1xi32> to vector<256x8xi32>
    %eq3A_129 = arith.cmpi eq, %iota3A_15, %eq3A_128 : vector<256x8xi32>
    %convert_element_type3A_130 = arith.extui %eq3A_129 : vector<256x8xi1> to vector<256x8xi32>
    %convert_element_type3A_131 = arith.sitofp %convert_element_type3A_130 : vector<256x8xi32> to vector<256x8xf32>
    %convert_element_type3A_132 = arith.truncf %convert_element_type3A_131 : vector<256x8xf32> to vector<256x8xbf16>
    %convert_element_type3A_133 = arith.extf %convert_element_type3A_132 : vector<256x8xbf16> to vector<256x8xf32>
    %dot_general3A_134 = arith.constant dense<0.000000e+00> : vector<256x8xf32>
    %dot_general3A_135 = tpu.matmul %convert_element_type3A_14, %convert_element_type3A_132, %dot_general3A_134 {dimension_numbers = #tpu.dot_dimension_numbers<[1], [0], [0], [1], [0, 0, 1, 1], [], []>, transpose_lhs_hint = false} : vector<256x256xbf16>, vector<256x8xbf16>, vector<256x8xf32> -> vector<256x8xf32>
    %broadcast_in_dim3A_136 = vector.shape_cast %add3A_125 : vector<8xf32> to vector<1x8xf32>
    %add3A_137 = vector.broadcast %broadcast_in_dim3A_136 : vector<1x8xf32> to vector<256x8xf32>
    %add3A_138 = arith.addf %dot_general3A_135, %add3A_137 : vector<256x8xf32>
    %reduce_sum3A_139 = arith.constant dense<0.000000e+00> : vector<8xf32>
    %reduce_sum3A_140 = vector.multi_reduction <add>, %convert_element_type3A_133, %reduce_sum3A_139 [0] : vector<256x8xf32> to vector<8xf32>
    %add3A_141 = arith.addf %add3A_125, %reduce_sum3A_140 : vector<8xf32>
    %iota3A_142 = tpu.iota {dimensions = array<i32: 0>} : vector<8x8xi32>
    %iota3A_143 = tpu.iota {dimensions = array<i32: 1>} : vector<8x8xi32>
    %lt3A = arith.cmpi slt, %iota3A_142, %iota3A_143 : vector<8x8xi32>
    %broadcast_in_dim3A_144 = vector.shape_cast %add3A_141 : vector<8xf32> to vector<8x1xf32>
    %jit3A = arith.constant 0.000000e+00 : f32
    %broadcast_in_dim3A_145 = vector.shape_cast %broadcast_in_dim3A_144 : vector<8x1xf32> to vector<8x1xf32>
    %broadcast_in_dim3A_146 = vector.broadcast %broadcast_in_dim3A_145 : vector<8x1xf32> to vector<8x8xf32>
    %broadcast_in_dim3A_147 = vector.broadcast %jit3A : f32 to vector<8x8xf32>
    %select_n3A = arith.select %lt3A, %broadcast_in_dim3A_146, %broadcast_in_dim3A_147 : vector<8x8xi1>, vector<8x8xf32>
    %reduce_sum3A_148 = arith.constant dense<0.000000e+00> : vector<8xf32>
    %reduce_sum3A_149 = vector.multi_reduction <add>, %select_n3A, %reduce_sum3A_148 [0] : vector<8x8xf32> to vector<8xf32>
    %broadcast_in_dim3A_150 = vector.shape_cast %reduce_sum3A_149 : vector<8xf32> to vector<1x8xf32>
    %add3A_151 = vector.broadcast %broadcast_in_dim3A_150 : vector<1x8xf32> to vector<256x8xf32>
    %add3A_152 = arith.addf %add3A_26, %add3A_151 : vector<256x8xf32>
    %mul3A = arith.mulf %add3A_152, %convert_element_type3A_23 : vector<256x8xf32>
    %reduce_sum3A_153 = arith.constant dense<0.000000e+00> : vector<256xf32>
    %reduce_sum3A_154 = vector.multi_reduction <add>, %mul3A, %reduce_sum3A_153 [1] : vector<256x8xf32> to vector<256xf32>
    %convert_element_type3A_155 = arith.fptosi %reduce_sum3A_154 : vector<256xf32> to vector<256xi32>
    %swap3A_156 = arith.constant 0 : index
    %swap3A_157 = arith.constant 0 : index
    %swap3A_158 = arith.constant 0 : index
    %swap3A_159 = vector.load %arg2[%swap3A_156, %swap3A_157, %swap3A_158] : memref<1x1x2048xi32, #tpu.memory_space<vmem>>, vector<1x1x256xi32>
    %swap3A_160 = vector.shape_cast %swap3A_159 : vector<1x1x256xi32> to vector<256xi32>
    %swap3A_161 = vector.shape_cast %convert_element_type3A_155 : vector<256xi32> to vector<1x1x256xi32>
    tpu.vector_store %arg2[%swap3A_156, %swap3A_157, %swap3A_158], %swap3A_161 {strides = array<i32>} : memref<1x1x2048xi32, #tpu.memory_space<vmem>>, vector<1x1x256xi32>,
    %broadcast_in_dim3A_162 = vector.shape_cast %reduce_sum3A_149 : vector<8xf32> to vector<1x8xf32>
    %add3A_163 = vector.broadcast %broadcast_in_dim3A_162 : vector<1x8xf32> to vector<256x8xf32>
    %add3A_164 = arith.addf %add3A_42, %add3A_163 : vector<256x8xf32>
    %mul3A_165 = arith.mulf %add3A_164, %convert_element_type3A_37 : vector<256x8xf32>
    %reduce_sum3A_166 = arith.constant dense<0.000000e+00> : vector<256xf32>
    %reduce_sum3A_167 = vector.multi_reduction <add>, %mul3A_165, %reduce_sum3A_166 [1] : vector<256x8xf32> to vector<256xf32>
    %convert_element_type3A_168 = arith.fptosi %reduce_sum3A_167 : vector<256xf32> to vector<256xi32>
    %swap3A_169 = arith.constant 0 : index
    %swap3A_170 = arith.constant 0 : index
    %swap3A_171 = arith.constant 256 : index
    %swap3A_172 = vector.load %arg2[%swap3A_169, %swap3A_170, %swap3A_171] : memref<1x1x2048xi32, #tpu.memory_space<vmem>>, vector<1x1x256xi32>
    %swap3A_173 = vector.shape_cast %swap3A_172 : vector<1x1x256xi32> to vector<256xi32>
    %swap3A_174 = vector.shape_cast %convert_element_type3A_168 : vector<256xi32> to vector<1x1x256xi32>
    tpu.vector_store %arg2[%swap3A_169, %swap3A_170, %swap3A_171], %swap3A_174 {strides = array<i32>} : memref<1x1x2048xi32, #tpu.memory_space<vmem>>, vector<1x1x256xi32>,
    %broadcast_in_dim3A_175 = vector.shape_cast %reduce_sum3A_149 : vector<8xf32> to vector<1x8xf32>
    %add3A_176 = vector.broadcast %broadcast_in_dim3A_175 : vector<1x8xf32> to vector<256x8xf32>
    %add3A_177 = arith.addf %add3A_58, %add3A_176 : vector<256x8xf32>
    %mul3A_178 = arith.mulf %add3A_177, %convert_element_type3A_53 : vector<256x8xf32>
    %reduce_sum3A_179 = arith.constant dense<0.000000e+00> : vector<256xf32>
    %reduce_sum3A_180 = vector.multi_reduction <add>, %mul3A_178, %reduce_sum3A_179 [1] : vector<256x8xf32> to vector<256xf32>
    %convert_element_type3A_181 = arith.fptosi %reduce_sum3A_180 : vector<256xf32> to vector<256xi32>
    %swap3A_182 = arith.constant 0 : index
    %swap3A_183 = arith.constant 0 : index
    %swap3A_184 = arith.constant 512 : index
    %swap3A_185 = vector.load %arg2[%swap3A_182, %swap3A_183, %swap3A_184] : memref<1x1x2048xi32, #tpu.memory_space<vmem>>, vector<1x1x256xi32>
    %swap3A_186 = vector.shape_cast %swap3A_185 : vector<1x1x256xi32> to vector<256xi32>
    %swap3A_187 = vector.shape_cast %convert_element_type3A_181 : vector<256xi32> to vector<1x1x256xi32>
    tpu.vector_store %arg2[%swap3A_182, %swap3A_183, %swap3A_184], %swap3A_187 {strides = array<i32>} : memref<1x1x2048xi32, #tpu.memory_space<vmem>>, vector<1x1x256xi32>,
    %broadcast_in_dim3A_188 = vector.shape_cast %reduce_sum3A_149 : vector<8xf32> to vector<1x8xf32>
    %add3A_189 = vector.broadcast %broadcast_in_dim3A_188 : vector<1x8xf32> to vector<256x8xf32>
    %add3A_190 = arith.addf %add3A_74, %add3A_189 : vector<256x8xf32>
    %mul3A_191 = arith.mulf %add3A_190, %convert_element_type3A_69 : vector<256x8xf32>
    %reduce_sum3A_192 = arith.constant dense<0.000000e+00> : vector<256xf32>
    %reduce_sum3A_193 = vector.multi_reduction <add>, %mul3A_191, %reduce_sum3A_192 [1] : vector<256x8xf32> to vector<256xf32>
    %convert_element_type3A_194 = arith.fptosi %reduce_sum3A_193 : vector<256xf32> to vector<256xi32>
    %swap3A_195 = arith.constant 0 : index
    %swap3A_196 = arith.constant 0 : index
    %swap3A_197 = arith.constant 768 : index
    %swap3A_198 = vector.load %arg2[%swap3A_195, %swap3A_196, %swap3A_197] : memref<1x1x2048xi32, #tpu.memory_space<vmem>>, vector<1x1x256xi32>
    %swap3A_199 = vector.shape_cast %swap3A_198 : vector<1x1x256xi32> to vector<256xi32>
    %swap3A_200 = vector.shape_cast %convert_element_type3A_194 : vector<256xi32> to vector<1x1x256xi32>
    tpu.vector_store %arg2[%swap3A_195, %swap3A_196, %swap3A_197], %swap3A_200 {strides = array<i32>} : memref<1x1x2048xi32, #tpu.memory_space<vmem>>, vector<1x1x256xi32>,
    %broadcast_in_dim3A_201 = vector.shape_cast %reduce_sum3A_149 : vector<8xf32> to vector<1x8xf32>
    %add3A_202 = vector.broadcast %broadcast_in_dim3A_201 : vector<1x8xf32> to vector<256x8xf32>
    %add3A_203 = arith.addf %add3A_90, %add3A_202 : vector<256x8xf32>
    %mul3A_204 = arith.mulf %add3A_203, %convert_element_type3A_85 : vector<256x8xf32>
    %reduce_sum3A_205 = arith.constant dense<0.000000e+00> : vector<256xf32>
    %reduce_sum3A_206 = vector.multi_reduction <add>, %mul3A_204, %reduce_sum3A_205 [1] : vector<256x8xf32> to vector<256xf32>
    %convert_element_type3A_207 = arith.fptosi %reduce_sum3A_206 : vector<256xf32> to vector<256xi32>
    %swap3A_208 = arith.constant 0 : index
    %swap3A_209 = arith.constant 0 : index
    %swap3A_210 = arith.constant 1024 : index
    %swap3A_211 = vector.load %arg2[%swap3A_208, %swap3A_209, %swap3A_210] : memref<1x1x2048xi32, #tpu.memory_space<vmem>>, vector<1x1x256xi32>
    %swap3A_212 = vector.shape_cast %swap3A_211 : vector<1x1x256xi32> to vector<256xi32>
    %swap3A_213 = vector.shape_cast %convert_element_type3A_207 : vector<256xi32> to vector<1x1x256xi32>
    tpu.vector_store %arg2[%swap3A_208, %swap3A_209, %swap3A_210], %swap3A_213 {strides = array<i32>} : memref<1x1x2048xi32, #tpu.memory_space<vmem>>, vector<1x1x256xi32>,
    %broadcast_in_dim3A_214 = vector.shape_cast %reduce_sum3A_149 : vector<8xf32> to vector<1x8xf32>
    %add3A_215 = vector.broadcast %broadcast_in_dim3A_214 : vector<1x8xf32> to vector<256x8xf32>
    %add3A_216 = arith.addf %add3A_106, %add3A_215 : vector<256x8xf32>
    %mul3A_217 = arith.mulf %add3A_216, %convert_element_type3A_101 : vector<256x8xf32>
    %reduce_sum3A_218 = arith.constant dense<0.000000e+00> : vector<256xf32>
    %reduce_sum3A_219 = vector.multi_reduction <add>, %mul3A_217, %reduce_sum3A_218 [1] : vector<256x8xf32> to vector<256xf32>
    %convert_element_type3A_220 = arith.fptosi %reduce_sum3A_219 : vector<256xf32> to vector<256xi32>
    %swap3A_221 = arith.constant 0 : index
    %swap3A_222 = arith.constant 0 : index
    %swap3A_223 = arith.constant 1280 : index
    %swap3A_224 = vector.load %arg2[%swap3A_221, %swap3A_222, %swap3A_223] : memref<1x1x2048xi32, #tpu.memory_space<vmem>>, vector<1x1x256xi32>
    %swap3A_225 = vector.shape_cast %swap3A_224 : vector<1x1x256xi32> to vector<256xi32>
    %swap3A_226 = vector.shape_cast %convert_element_type3A_220 : vector<256xi32> to vector<1x1x256xi32>
    tpu.vector_store %arg2[%swap3A_221, %swap3A_222, %swap3A_223], %swap3A_226 {strides = array<i32>} : memref<1x1x2048xi32, #tpu.memory_space<vmem>>, vector<1x1x256xi32>,
    %broadcast_in_dim3A_227 = vector.shape_cast %reduce_sum3A_149 : vector<8xf32> to vector<1x8xf32>
    %add3A_228 = vector.broadcast %broadcast_in_dim3A_227 : vector<1x8xf32> to vector<256x8xf32>
    %add3A_229 = arith.addf %add3A_122, %add3A_228 : vector<256x8xf32>
    %mul3A_230 = arith.mulf %add3A_229, %convert_element_type3A_117 : vector<256x8xf32>
    %reduce_sum3A_231 = arith.constant dense<0.000000e+00> : vector<256xf32>
    %reduce_sum3A_232 = vector.multi_reduction <add>, %mul3A_230, %reduce_sum3A_231 [1] : vector<256x8xf32> to vector<256xf32>
    %convert_element_type3A_233 = arith.fptosi %reduce_sum3A_232 : vector<256xf32> to vector<256xi32>
    %swap3A_234 = arith.constant 0 : index
    %swap3A_235 = arith.constant 0 : index
    %swap3A_236 = arith.constant 1536 : index
    %swap3A_237 = vector.load %arg2[%swap3A_234, %swap3A_235, %swap3A_236] : memref<1x1x2048xi32, #tpu.memory_space<vmem>>, vector<1x1x256xi32>
    %swap3A_238 = vector.shape_cast %swap3A_237 : vector<1x1x256xi32> to vector<256xi32>
    %swap3A_239 = vector.shape_cast %convert_element_type3A_233 : vector<256xi32> to vector<1x1x256xi32>
    tpu.vector_store %arg2[%swap3A_234, %swap3A_235, %swap3A_236], %swap3A_239 {strides = array<i32>} : memref<1x1x2048xi32, #tpu.memory_space<vmem>>, vector<1x1x256xi32>,
    %broadcast_in_dim3A_240 = vector.shape_cast %reduce_sum3A_149 : vector<8xf32> to vector<1x8xf32>
    %add3A_241 = vector.broadcast %broadcast_in_dim3A_240 : vector<1x8xf32> to vector<256x8xf32>
    %add3A_242 = arith.addf %add3A_138, %add3A_241 : vector<256x8xf32>
    %mul3A_243 = arith.mulf %add3A_242, %convert_element_type3A_133 : vector<256x8xf32>
    %reduce_sum3A_244 = arith.constant dense<0.000000e+00> : vector<256xf32>
    %reduce_sum3A_245 = vector.multi_reduction <add>, %mul3A_243, %reduce_sum3A_244 [1] : vector<256x8xf32> to vector<256xf32>
    %convert_element_type3A_246 = arith.fptosi %reduce_sum3A_245 : vector<256xf32> to vector<256xi32>
    %swap3A_247 = arith.constant 0 : index
    %swap3A_248 = arith.constant 0 : index
    %swap3A_249 = arith.constant 1792 : index
    %swap3A_250 = vector.load %arg2[%swap3A_247, %swap3A_248, %swap3A_249] : memref<1x1x2048xi32, #tpu.memory_space<vmem>>, vector<1x1x256xi32>
    %swap3A_251 = vector.shape_cast %swap3A_250 : vector<1x1x256xi32> to vector<256xi32>
    %swap3A_252 = vector.shape_cast %convert_element_type3A_246 : vector<256xi32> to vector<1x1x256xi32>
    tpu.vector_store %arg2[%swap3A_247, %swap3A_248, %swap3A_249], %swap3A_252 {strides = array<i32>} : memref<1x1x2048xi32, #tpu.memory_space<vmem>>, vector<1x1x256xi32>,
    %convert_element_type3A_253 = arith.fptosi %add3A_141 : vector<8xf32> to vector<8xi32>
    %convert_element_type3A_254 = arith.fptosi %reduce_sum3A_149 : vector<8xf32> to vector<8xi32>
    %add3A_255 = arith.addi %convert_element_type3A_254, %convert_element_type3A_253 : vector<8xi32>
    %jit3A_256 = arith.constant 256 : i32
    %div3A_257 = vector.broadcast %jit3A_256 : i32 to vector<8xi32>
    %div3A_258 = arith.divsi %convert_element_type3A_254, %div3A_257 : vector<8xi32>
    %sign3A = arith.constant 0 : i32
    %sign3A_259 = vector.broadcast %sign3A : i32 to vector<8xi32>
    %sign3A_260 = arith.cmpi sgt, %convert_element_type3A_254, %sign3A_259 : vector<8xi32>
    %sign3A_261 = arith.extui %sign3A_260 : vector<8xi1> to vector<8xi32>
    %sign3A_262 = arith.constant 0 : i32
    %sign3A_263 = vector.broadcast %sign3A_262 : i32 to vector<8xi32>
    %sign3A_264 = arith.cmpi slt, %convert_element_type3A_254, %sign3A_263 : vector<8xi32>
    %sign3A_265 = arith.extui %sign3A_264 : vector<8xi1> to vector<8xi32>
    %sign3A_266 = arith.subi %sign3A_261, %sign3A_265 : vector<8xi32>
    %sign3A_267 = arith.constant 0 : i32
    %sign3A_268 = arith.cmpi sgt, %jit3A_256, %sign3A_267 : i32
    %sign3A_269 = arith.extui %sign3A_268 : i1 to i32
    %sign3A_270 = arith.constant 0 : i32
    %sign3A_271 = arith.cmpi slt, %jit3A_256, %sign3A_270 : i32
    %sign3A_272 = arith.extui %sign3A_271 : i1 to i32
    %sign3A_273 = arith.subi %sign3A_269, %sign3A_272 : i32
    %ne3A = vector.broadcast %sign3A_273 : i32 to vector<8xi32>
    %ne3A_274 = arith.cmpi ne, %sign3A_266, %ne3A : vector<8xi32>
    %rem3A = vector.broadcast %jit3A_256 : i32 to vector<8xi32>
    %rem3A_275 = arith.remsi %convert_element_type3A_254, %rem3A : vector<8xi32>
    %ne3A_276 = arith.constant 0 : i32
    %ne3A_277 = vector.broadcast %ne3A_276 : i32 to vector<8xi32>
    %ne3A_278 = arith.cmpi ne, %rem3A_275, %ne3A_277 : vector<8xi32>
    %and3A = arith.andi %ne3A_274, %ne3A_278 : vector<8xi1>
    %sub3A_279 = arith.constant 1 : i32
    %sub3A_280 = vector.broadcast %sub3A_279 : i32 to vector<8xi32>
    %sub3A_281 = arith.subi %div3A_258, %sub3A_280 : vector<8xi32>
    %select_n3A_282 = arith.select %and3A, %sub3A_281, %div3A_258 : vector<8xi1>, vector<8xi32>
    %gt3A_283 = arith.constant 0 : i32
    %gt3A_284 = vector.broadcast %gt3A_283 : i32 to vector<8xi32>
    %gt3A_285 = arith.cmpi sgt, %convert_element_type3A_253, %gt3A_284 : vector<8xi32>
    %sub3A_286 = arith.constant 1 : i32
    %sub3A_287 = vector.broadcast %sub3A_286 : i32 to vector<8xi32>
    %sub3A_288 = arith.subi %add3A_255, %sub3A_287 : vector<8xi32>
    %jit3A_289 = arith.constant 256 : i32
    %div3A_290 = vector.broadcast %jit3A_289 : i32 to vector<8xi32>
    %div3A_291 = arith.divsi %sub3A_288, %div3A_290 : vector<8xi32>
    %sign3A_292 = arith.constant 0 : i32
    %sign3A_293 = vector.broadcast %sign3A_292 : i32 to vector<8xi32>
    %sign3A_294 = arith.cmpi sgt, %sub3A_288, %sign3A_293 : vector<8xi32>
    %sign3A_295 = arith.extui %sign3A_294 : vector<8xi1> to vector<8xi32>
    %sign3A_296 = arith.constant 0 : i32
    %sign3A_297 = vector.broadcast %sign3A_296 : i32 to vector<8xi32>
    %sign3A_298 = arith.cmpi slt, %sub3A_288, %sign3A_297 : vector<8xi32>
    %sign3A_299 = arith.extui %sign3A_298 : vector<8xi1> to vector<8xi32>
    %sign3A_300 = arith.subi %sign3A_295, %sign3A_299 : vector<8xi32>
    %sign3A_301 = arith.constant 0 : i32
    %sign3A_302 = arith.cmpi sgt, %jit3A_289, %sign3A_301 : i32
    %sign3A_303 = arith.extui %sign3A_302 : i1 to i32
    %sign3A_304 = arith.constant 0 : i32
    %sign3A_305 = arith.cmpi slt, %jit3A_289, %sign3A_304 : i32
    %sign3A_306 = arith.extui %sign3A_305 : i1 to i32
    %sign3A_307 = arith.subi %sign3A_303, %sign3A_306 : i32
    %ne3A_308 = vector.broadcast %sign3A_307 : i32 to vector<8xi32>
    %ne3A_309 = arith.cmpi ne, %sign3A_300, %ne3A_308 : vector<8xi32>
    %rem3A_310 = vector.broadcast %jit3A_289 : i32 to vector<8xi32>
    %rem3A_311 = arith.remsi %sub3A_288, %rem3A_310 : vector<8xi32>
    %ne3A_312 = arith.constant 0 : i32
    %ne3A_313 = vector.broadcast %ne3A_312 : i32 to vector<8xi32>
    %ne3A_314 = arith.cmpi ne, %rem3A_311, %ne3A_313 : vector<8xi32>
    %and3A_315 = arith.andi %ne3A_309, %ne3A_314 : vector<8xi1>
    %sub3A_316 = arith.constant 1 : i32
    %sub3A_317 = vector.broadcast %sub3A_316 : i32 to vector<8xi32>
    %sub3A_318 = arith.subi %div3A_291, %sub3A_317 : vector<8xi32>
    %select_n3A_319 = arith.select %and3A_315, %sub3A_318, %div3A_291 : vector<8xi1>, vector<8xi32>
    %sub3A_320 = arith.constant 1 : i32
    %sub3A_321 = vector.broadcast %sub3A_320 : i32 to vector<8xi32>
    %sub3A_322 = arith.subi %select_n3A_282, %sub3A_321 : vector<8xi32>
    %select_n3A_323 = arith.select %gt3A_285, %select_n3A_319, %sub3A_322 : vector<8xi1>, vector<8xi32>
    %sub3A_324 = arith.subi %select_n3A_323, %select_n3A_282 : vector<8xi32>
    %add3A_325 = arith.constant 1 : i32
    %add3A_326 = vector.broadcast %add3A_325 : i32 to vector<8xi32>
    %add3A_327 = arith.addi %sub3A_324, %add3A_326 : vector<8xi32>
    %lt3A_328 = arith.cmpi slt, %iota3A_142, %iota3A_143 : vector<8x8xi32>
    %broadcast_in_dim3A_329 = vector.shape_cast %add3A_327 : vector<8xi32> to vector<8x1xi32>
    %jit3A_330 = arith.constant 0 : i32
    %broadcast_in_dim3A_331 = vector.shape_cast %broadcast_in_dim3A_329 : vector<8x1xi32> to vector<8x1xi32>
    %broadcast_in_dim3A_332 = vector.broadcast %broadcast_in_dim3A_331 : vector<8x1xi32> to vector<8x8xi32>
    %broadcast_in_dim3A_333 = vector.broadcast %jit3A_330 : i32 to vector<8x8xi32>
    %select_n3A_334 = arith.select %lt3A_328, %broadcast_in_dim3A_332, %broadcast_in_dim3A_333 : vector<8x8xi1>, vector<8x8xi32>
    %reduce_sum3A_335 = arith.constant dense<0> : vector<8xi32>
    %reduce_sum3A_336 = vector.multi_reduction <add>, %select_n3A_334, %reduce_sum3A_335 [0] : vector<8x8xi32> to vector<8xi32>
    %reduce_sum3A_337 = vector.shape_cast %add3A_327 : vector<8xi32> to vector<1x8xi32>
    %reduce_sum3A_338 = arith.constant dense<0> : vector<1xi32>
    %reduce_sum3A_339 = vector.multi_reduction <add>, %reduce_sum3A_337, %reduce_sum3A_338 [1] : vector<1x8xi32> to vector<1xi32>
    %reduce_sum3A_340 = vector.shape_cast %reduce_sum3A_339 : vector<1xi32> to vector<1x1xi32>
    %reduce_sum3A_341 = vector.extract %reduce_sum3A_340[0, 0] : i32 from vector<1x1xi32>
    %iota3A_342 = tpu.iota {dimensions = array<i32: 0>} : vector<15x8xi32>
    %broadcast_in_dim3A_343 = vector.shape_cast %reduce_sum3A_336 : vector<8xi32> to vector<1x8xi32>
    %le3A = vector.broadcast %broadcast_in_dim3A_343 : vector<1x8xi32> to vector<15x8xi32>
    %le3A_344 = arith.cmpi sle, %le3A, %iota3A_342 : vector<15x8xi32>
    %convert_element_type3A_345 = arith.extui %le3A_344 : vector<15x8xi1> to vector<15x8xi32>
    %reduce_sum3A_346 = arith.constant dense<0> : vector<15xi32>
    %reduce_sum3A_347 = vector.multi_reduction <add>, %convert_element_type3A_345, %reduce_sum3A_346 [1] : vector<15x8xi32> to vector<15xi32>
    %sub3A_348 = arith.constant 1 : i32
    %sub3A_349 = vector.broadcast %sub3A_348 : i32 to vector<15xi32>
    %sub3A_350 = arith.subi %reduce_sum3A_347, %sub3A_349 : vector<15xi32>
    %iota3A_351 = tpu.iota {dimensions = array<i32: 1>} : vector<15x8xi32>
    %broadcast_in_dim3A_352 = vector.shape_cast %sub3A_350 : vector<15xi32> to vector<15x1xi32>
    %eq3A_353 = vector.broadcast %broadcast_in_dim3A_352 : vector<15x1xi32> to vector<15x8xi32>
    %eq3A_354 = arith.cmpi eq, %iota3A_351, %eq3A_353 : vector<15x8xi32>
    %slice3A_355 = vector.extract_strided_slice %iota3A_342 {offsets = [0, 0], sizes = [15, 1], strides = [1, 1]} : vector<15x8xi32> to vector<15x1xi32>
    %squeeze3A = vector.shape_cast %slice3A_355 : vector<15x1xi32> to vector<15xi32>
    %broadcast_in_dim3A_356 = vector.shape_cast %select_n3A_282 : vector<8xi32> to vector<1x8xi32>
    %jit3A_357 = arith.constant 0 : i32
    %broadcast_in_dim3A_358 = vector.shape_cast %broadcast_in_dim3A_356 : vector<1x8xi32> to vector<1x8xi32>
    %broadcast_in_dim3A_359 = vector.broadcast %broadcast_in_dim3A_358 : vector<1x8xi32> to vector<15x8xi32>
    %broadcast_in_dim3A_360 = vector.broadcast %jit3A_357 : i32 to vector<15x8xi32>
    %select_n3A_361 = arith.select %eq3A_354, %broadcast_in_dim3A_359, %broadcast_in_dim3A_360 : vector<15x8xi1>, vector<15x8xi32>
    %reduce_sum3A_362 = arith.constant dense<0> : vector<15xi32>
    %reduce_sum3A_363 = vector.multi_reduction <add>, %select_n3A_361, %reduce_sum3A_362 [1] : vector<15x8xi32> to vector<15xi32>
    %broadcast_in_dim3A_364 = vector.shape_cast %reduce_sum3A_336 : vector<8xi32> to vector<1x8xi32>
    %jit3A_365 = arith.constant 0 : i32
    %broadcast_in_dim3A_366 = vector.shape_cast %broadcast_in_dim3A_364 : vector<1x8xi32> to vector<1x8xi32>
    %broadcast_in_dim3A_367 = vector.broadcast %broadcast_in_dim3A_366 : vector<1x8xi32> to vector<15x8xi32>
    %broadcast_in_dim3A_368 = vector.broadcast %jit3A_365 : i32 to vector<15x8xi32>
    %select_n3A_369 = arith.select %eq3A_354, %broadcast_in_dim3A_367, %broadcast_in_dim3A_368 : vector<15x8xi1>, vector<15x8xi32>
    %reduce_sum3A_370 = arith.constant dense<0> : vector<15xi32>
    %reduce_sum3A_371 = vector.multi_reduction <add>, %select_n3A_369, %reduce_sum3A_370 [1] : vector<15x8xi32> to vector<15xi32>
    %sub3A_372 = arith.subi %squeeze3A, %reduce_sum3A_371 : vector<15xi32>
    %add3A_373 = arith.addi %reduce_sum3A_363, %sub3A_372 : vector<15xi32>
    %lt3A_374 = vector.broadcast %reduce_sum3A_341 : i32 to vector<15xi32>
    %lt3A_375 = arith.cmpi slt, %squeeze3A, %lt3A_374 : vector<15xi32>
    %jit3A_376 = arith.constant 7 : i32
    %broadcast_in_dim3A_377 = vector.broadcast %jit3A_376 : i32 to vector<15xi32>
    %select_n3A_378 = arith.select %lt3A_375, %add3A_373, %broadcast_in_dim3A_377 : vector<15xi1>, vector<15xi32>
    %broadcast_in_dim3A_379 = vector.shape_cast %convert_element_type3A_254 : vector<8xi32> to vector<1x8xi32>
    %jit3A_380 = arith.constant 0 : i32
    %broadcast_in_dim3A_381 = vector.shape_cast %broadcast_in_dim3A_379 : vector<1x8xi32> to vector<1x8xi32>
    %broadcast_in_dim3A_382 = vector.broadcast %broadcast_in_dim3A_381 : vector<1x8xi32> to vector<15x8xi32>
    %broadcast_in_dim3A_383 = vector.broadcast %jit3A_380 : i32 to vector<15x8xi32>
    %select_n3A_384 = arith.select %eq3A_354, %broadcast_in_dim3A_382, %broadcast_in_dim3A_383 : vector<15x8xi1>, vector<15x8xi32>
    %reduce_sum3A_385 = arith.constant dense<0> : vector<15xi32>
    %reduce_sum3A_386 = vector.multi_reduction <add>, %select_n3A_384, %reduce_sum3A_385 [1] : vector<15x8xi32> to vector<15xi32>
    %mul3A_387 = arith.constant 256 : i32
    %mul3A_388 = vector.broadcast %mul3A_387 : i32 to vector<15xi32>
    %mul3A_389 = arith.muli %add3A_373, %mul3A_388 : vector<15xi32>
    %max3A = arith.maxsi %reduce_sum3A_386, %mul3A_389 : vector<15xi32>
    %jit3A_390 = arith.constant 0 : i32
    %broadcast_in_dim3A_391 = vector.broadcast %jit3A_390 : i32 to vector<15xi32>
    %select_n3A_392 = arith.select %lt3A_375, %max3A, %broadcast_in_dim3A_391 : vector<15xi1>, vector<15xi32>
    %broadcast_in_dim3A_393 = vector.shape_cast %add3A_255 : vector<8xi32> to vector<1x8xi32>
    %jit3A_394 = arith.constant 0 : i32
    %broadcast_in_dim3A_395 = vector.shape_cast %broadcast_in_dim3A_393 : vector<1x8xi32> to vector<1x8xi32>
    %broadcast_in_dim3A_396 = vector.broadcast %broadcast_in_dim3A_395 : vector<1x8xi32> to vector<15x8xi32>
    %broadcast_in_dim3A_397 = vector.broadcast %jit3A_394 : i32 to vector<15x8xi32>
    %select_n3A_398 = arith.select %eq3A_354, %broadcast_in_dim3A_396, %broadcast_in_dim3A_397 : vector<15x8xi1>, vector<15x8xi32>
    %reduce_sum3A_399 = arith.constant dense<0> : vector<15xi32>
    %reduce_sum3A_400 = vector.multi_reduction <add>, %select_n3A_398, %reduce_sum3A_399 [1] : vector<15x8xi32> to vector<15xi32>
    %add3A_401 = arith.constant 1 : i32
    %add3A_402 = vector.broadcast %add3A_401 : i32 to vector<15xi32>
    %add3A_403 = arith.addi %add3A_373, %add3A_402 : vector<15xi32>
    %mul3A_404 = arith.constant 256 : i32
    %mul3A_405 = vector.broadcast %mul3A_404 : i32 to vector<15xi32>
    %mul3A_406 = arith.muli %add3A_403, %mul3A_405 : vector<15xi32>
    %min3A = arith.minsi %reduce_sum3A_400, %mul3A_406 : vector<15xi32>
    %jit3A_407 = arith.constant 0 : i32
    %broadcast_in_dim3A_408 = vector.broadcast %jit3A_407 : i32 to vector<15xi32>
    %select_n3A_409 = arith.select %lt3A_375, %min3A, %broadcast_in_dim3A_408 : vector<15xi1>, vector<15xi32>
    %jit3A_410 = arith.constant 0 : i32
    %pad3A = vector.broadcast %jit3A_410 : i32 to vector<113xi32>
    %pad3A_411 = tpu.concatenate %sub3A_350, %pad3A in 0 : vector<15xi32>, vector<113xi32> -> vector<128xi32>
    %broadcast_in_dim3A_412 = vector.shape_cast %pad3A_411 : vector<128xi32> to vector<1x128xi32>
    %jit3A_413 = arith.constant 0 : i32
    %pad3A_414 = vector.broadcast %jit3A_413 : i32 to vector<113xi32>
    %pad3A_415 = tpu.concatenate %select_n3A_378, %pad3A_414 in 0 : vector<15xi32>, vector<113xi32> -> vector<128xi32>
    %broadcast_in_dim3A_416 = vector.shape_cast %pad3A_415 : vector<128xi32> to vector<1x128xi32>
    %jit3A_417 = arith.constant 0 : i32
    %pad3A_418 = vector.broadcast %jit3A_417 : i32 to vector<113xi32>
    %pad3A_419 = tpu.concatenate %select_n3A_392, %pad3A_418 in 0 : vector<15xi32>, vector<113xi32> -> vector<128xi32>
    %broadcast_in_dim3A_420 = vector.shape_cast %pad3A_419 : vector<128xi32> to vector<1x128xi32>
    %jit3A_421 = arith.constant 0 : i32
    %pad3A_422 = vector.broadcast %jit3A_421 : i32 to vector<113xi32>
    %pad3A_423 = tpu.concatenate %select_n3A_409, %pad3A_422 in 0 : vector<15xi32>, vector<113xi32> -> vector<128xi32>
    %broadcast_in_dim3A_424 = vector.shape_cast %pad3A_423 : vector<128xi32> to vector<1x128xi32>
    %concatenate3A = tpu.concatenate %broadcast_in_dim3A_412, %broadcast_in_dim3A_416, %broadcast_in_dim3A_420, %broadcast_in_dim3A_424 in 0 : vector<1x128xi32>, vector<1x128xi32>, vector<1x128xi32>, vector<1x128xi32> -> vector<4x128xi32>
    %swap3A_425 = arith.constant 0 : index
    %swap3A_426 = arith.constant 0 : index
    %swap3A_427 = vector.load %arg3[%swap3A_425, %swap3A_426] : memref<4x128xi32, #tpu.memory_space<vmem>>, vector<4x128xi32>
    tpu.vector_store %arg3[%swap3A_425, %swap3A_426], %concatenate3A {strides = array<i32>} : memref<4x128xi32, #tpu.memory_space<vmem>>, vector<4x128xi32>,
    return
  }
}

module attributes {stable_mosaic.version = 14 : i64} {
  func.func @_tables_body(%arg0: i32, %arg1: memref<1x32x768xf32, #tpu.memory_space<vmem>>, %arg2: memref<1x768x768xf32, #tpu.memory_space<vmem>>, %arg3: memref<1x1x768xf32, #tpu.memory_space<vmem>>, %arg4: memref<1x1x768xf32, #tpu.memory_space<vmem>>, %arg5: memref<1x1x768xf32, #tpu.memory_space<vmem>>, %arg6: memref<1x1x128xf32, #tpu.memory_space<vmem>>) attributes {dimension_semantics = [#tpu.dimension_semantics<arbitrary>], iteration_bounds = array<i64: 8>, scalar_prefetch = 0 : i64, scratch_operands = 0 : i64, tpu.core_type = #tpu.core_type<tc>, window_params = [{pipeline_mode = #tpu.pipeline_mode<synchronous>, transform_indices = @transform_0, window_bounds = array<i64: 1, 32, 768>}, {transform_indices = @transform_1, window_bounds = array<i64: 1, 768, 768>}, {transform_indices = @transform_2, window_bounds = array<i64: 1, 1, 768>}, {transform_indices = @transform_3, window_bounds = array<i64: 1, 1, 768>}, {transform_indices = @transform_4, window_bounds = array<i64: 1, 1, 768>}, {transform_indices = @transform_5, window_bounds = array<i64: 1, 1, 128>}]} {
    %get3A = arith.constant 0 : index
    %get3A_0 = arith.constant 0 : index
    %get3A_1 = arith.constant 0 : index
    %get3A_2 = vector.load %arg1[%get3A, %get3A_0, %get3A_1] : memref<1x32x768xf32, #tpu.memory_space<vmem>>, vector<1x32x768xf32>
    %get3A_3 = vector.shape_cast %get3A_2 : vector<1x32x768xf32> to vector<32x768xf32>
    %reduce_sum3A = arith.constant dense<0.000000e+00> : vector<768xf32>
    %reduce_sum3A_4 = vector.multi_reduction <add>, %get3A_3, %reduce_sum3A [0] : vector<32x768xf32> to vector<768xf32>
    %broadcast_in_dim3A = vector.shape_cast %reduce_sum3A_4 : vector<768xf32> to vector<1x768xf32>
    %div3A = arith.constant 3.200000e+01 : f32
    %div3A_5 = vector.broadcast %div3A : f32 to vector<1x768xf32>
    %div3A_6 = arith.divf %broadcast_in_dim3A, %div3A_5 : vector<1x768xf32>
    %get3A_7 = arith.constant 0 : index
    %get3A_8 = arith.constant 0 : index
    %get3A_9 = arith.constant 0 : index
    %get3A_10 = vector.load %arg2[%get3A_7, %get3A_8, %get3A_9] : memref<1x768x768xf32, #tpu.memory_space<vmem>>, vector<1x768x768xf32>
    %get3A_11 = vector.shape_cast %get3A_10 : vector<1x768x768xf32> to vector<768x768xf32>
    %mul3A = vector.broadcast %div3A_6 : vector<1x768xf32> to vector<768x768xf32>
    %mul3A_12 = arith.mulf %get3A_11, %mul3A : vector<768x768xf32>
    %reduce_sum3A_13 = arith.constant dense<0.000000e+00> : vector<768xf32>
    %reduce_sum3A_14 = vector.multi_reduction <add>, %mul3A_12, %reduce_sum3A_13 [1] : vector<768x768xf32> to vector<768xf32>
    %get3A_15 = arith.constant 0 : index
    %get3A_16 = arith.constant 0 : index
    %get3A_17 = arith.constant 0 : index
    %get3A_18 = vector.load %arg3[%get3A_15, %get3A_16, %get3A_17] : memref<1x1x768xf32, #tpu.memory_space<vmem>>, vector<1x1x768xf32>
    %get3A_19 = vector.shape_cast %get3A_18 : vector<1x1x768xf32> to vector<768xf32>
    %squeeze3A = vector.shape_cast %div3A_6 : vector<1x768xf32> to vector<768xf32>
    %mul3A_20 = arith.mulf %get3A_19, %squeeze3A : vector<768xf32>
    %reduce_sum3A_21 = vector.shape_cast %mul3A_20 : vector<768xf32> to vector<1x768xf32>
    %reduce_sum3A_22 = arith.constant dense<0.000000e+00> : vector<1xf32>
    %reduce_sum3A_23 = vector.multi_reduction <add>, %reduce_sum3A_21, %reduce_sum3A_22 [1] : vector<1x768xf32> to vector<1xf32>
    %reduce_sum3A_24 = vector.shape_cast %reduce_sum3A_23 : vector<1xf32> to vector<1x1xf32>
    %reduce_sum3A_25 = vector.extract %reduce_sum3A_24[0, 0] : f32 from vector<1x1xf32>
    %get3A_26 = arith.constant 0 : index
    %get3A_27 = arith.constant 0 : index
    %get3A_28 = arith.constant 0 : index
    %get3A_29 = vector.load %arg4[%get3A_26, %get3A_27, %get3A_28] : memref<1x1x768xf32, #tpu.memory_space<vmem>>, vector<1x1x768xf32>
    %get3A_30 = vector.shape_cast %get3A_29 : vector<1x1x768xf32> to vector<768xf32>
    %mul3A_31 = vector.broadcast %reduce_sum3A_25 : f32 to vector<768xf32>
    %mul3A_32 = arith.mulf %mul3A_31, %get3A_30 : vector<768xf32>
    %add3A = arith.addf %mul3A_32, %reduce_sum3A_14 : vector<768xf32>
    %swap3A = arith.constant 0 : index
    %swap3A_33 = arith.constant 0 : index
    %swap3A_34 = arith.constant 0 : index
    %swap3A_35 = vector.load %arg5[%swap3A, %swap3A_33, %swap3A_34] : memref<1x1x768xf32, #tpu.memory_space<vmem>>, vector<1x1x768xf32>
    %swap3A_36 = vector.shape_cast %swap3A_35 : vector<1x1x768xf32> to vector<768xf32>
    %swap3A_37 = vector.shape_cast %add3A : vector<768xf32> to vector<1x1x768xf32>
    tpu.vector_store %arg5[%swap3A, %swap3A_33, %swap3A_34], %swap3A_37 {strides = array<i32>} : memref<1x1x768xf32, #tpu.memory_space<vmem>>, vector<1x1x768xf32>,
    %broadcast_in_dim3A_38 = vector.broadcast %reduce_sum3A_25 : f32 to vector<1x1x128xf32>
    %swap3A_39 = arith.constant 0 : index
    %swap3A_40 = arith.constant 0 : index
    %swap3A_41 = arith.constant 0 : index
    %swap3A_42 = vector.load %arg6[%swap3A_39, %swap3A_40, %swap3A_41] : memref<1x1x128xf32, #tpu.memory_space<vmem>>, vector<1x1x128xf32>
    tpu.vector_store %arg6[%swap3A_39, %swap3A_40, %swap3A_41], %broadcast_in_dim3A_38 {strides = array<i32>} : memref<1x1x128xf32, #tpu.memory_space<vmem>>, vector<1x1x128xf32>,
    return
  }
  func.func @transform_0(%arg0: i32) -> (i32, i32, i32) {
    %c0_i32 = arith.constant 0 : i32
    %c0_i32_0 = arith.constant 0 : i32
    %c0_i32_1 = arith.constant 0 : i32
    %c0_i32_2 = arith.constant 0 : i32
    return %c0_i32, %c0_i32_0, %c0_i32_1 : i32, i32, i32
  }
  func.func @transform_1(%arg0: i32) -> (i32, i32, i32) {
    %c0_i32 = arith.constant 0 : i32
    %c0_i32_0 = arith.constant 0 : i32
    %c0_i32_1 = arith.constant 0 : i32
    return %arg0, %c0_i32, %c0_i32_0 : i32, i32, i32
  }
  func.func @transform_2(%arg0: i32) -> (i32, i32, i32) {
    %c0_i32 = arith.constant 0 : i32
    %c0_i32_0 = arith.constant 0 : i32
    %c0_i32_1 = arith.constant 0 : i32
    return %arg0, %c0_i32, %c0_i32_0 : i32, i32, i32
  }
  func.func @transform_3(%arg0: i32) -> (i32, i32, i32) {
    %c0_i32 = arith.constant 0 : i32
    %c0_i32_0 = arith.constant 0 : i32
    %c0_i32_1 = arith.constant 0 : i32
    return %arg0, %c0_i32, %c0_i32_0 : i32, i32, i32
  }
  func.func @transform_4(%arg0: i32) -> (i32, i32, i32) {
    %c0_i32 = arith.constant 0 : i32
    %c0_i32_0 = arith.constant 0 : i32
    %c0_i32_1 = arith.constant 0 : i32
    return %arg0, %c0_i32, %c0_i32_0 : i32, i32, i32
  }
  func.func @transform_5(%arg0: i32) -> (i32, i32, i32) {
    %c0_i32 = arith.constant 0 : i32
    %c0_i32_0 = arith.constant 0 : i32
    %c0_i32_1 = arith.constant 0 : i32
    return %arg0, %c0_i32, %c0_i32_0 : i32, i32, i32
  }
}

module attributes {stable_mosaic.version = 14 : i64} {
  func.func @_gmm_body(%arg0: i32, %arg1: memref<15xi32, #tpu.memory_space<smem>>, %arg2: memref<15xi32, #tpu.memory_space<smem>>, %arg3: memref<15xi32, #tpu.memory_space<smem>>, %arg4: memref<15xi32, #tpu.memory_space<smem>>, %arg5: memref<256x768xf32, #tpu.memory_space<vmem>>, %arg6: memref<256x128xf32, #tpu.memory_space<vmem>>, %arg7: memref<1x768x768xf32, #tpu.memory_space<vmem>>, %arg8: memref<1x1x128xf32, #tpu.memory_space<vmem>>, %arg9: memref<1x1x768xf32, #tpu.memory_space<vmem>>, %arg10: memref<256x768xf32, #tpu.memory_space<vmem>>) attributes {dimension_semantics = [#tpu.dimension_semantics<arbitrary>], iteration_bounds = array<i64: 15>, scalar_prefetch = 4 : i64, scratch_operands = 0 : i64, tpu.core_type = #tpu.core_type<tc>, window_params = [{transform_indices = @transform_0, window_bounds = array<i64: 256, 768>}, {transform_indices = @transform_1, window_bounds = array<i64: 256, 128>}, {transform_indices = @transform_2, window_bounds = array<i64: 1, 768, 768>}, {transform_indices = @transform_3, window_bounds = array<i64: 1, 1, 128>}, {transform_indices = @transform_4, window_bounds = array<i64: 1, 1, 768>}, {transform_indices = @transform_5, window_bounds = array<i64: 256, 768>}]} {
    %get3A = arith.index_cast %arg0 : i32 to index
    %get3A_0 = memref.load %arg2[%get3A] : memref<15xi32, #tpu.memory_space<smem>>
    %get3A_1 = arith.index_cast %arg0 : i32 to index
    %get3A_2 = memref.load %arg3[%get3A_1] : memref<15xi32, #tpu.memory_space<smem>>
    %get3A_3 = arith.index_cast %arg0 : i32 to index
    %get3A_4 = memref.load %arg4[%get3A_3] : memref<15xi32, #tpu.memory_space<smem>>
    %mul3A = arith.constant 256 : i32
    %mul3A_5 = arith.muli %get3A_0, %mul3A : i32
    %iota3A = tpu.iota {dimensions = array<i32: 0>} : vector<256x1xi32>
    %add3A = vector.broadcast %mul3A_5 : i32 to vector<256x1xi32>
    %add3A_6 = arith.addi %add3A, %iota3A : vector<256x1xi32>
    %ge3A = vector.broadcast %get3A_2 : i32 to vector<256x1xi32>
    %ge3A_7 = arith.cmpi sge, %add3A_6, %ge3A : vector<256x1xi32>
    %lt3A = vector.broadcast %get3A_4 : i32 to vector<256x1xi32>
    %lt3A_8 = arith.cmpi slt, %add3A_6, %lt3A : vector<256x1xi32>
    %and3A = arith.andi %ge3A_7, %lt3A_8 : vector<256x1xi1>
    %get3A_9 = arith.constant 0 : index
    %get3A_10 = arith.constant 0 : index
    %get3A_11 = vector.load %arg5[%get3A_9, %get3A_10] : memref<256x768xf32, #tpu.memory_space<vmem>>, vector<256x768xf32>
    %jit3A = arith.constant 0.000000e+00 : f32
    %broadcast_in_dim3A = vector.shape_cast %and3A : vector<256x1xi1> to vector<256x1xi1>
    %broadcast_in_dim3A_12 = vector.broadcast %broadcast_in_dim3A : vector<256x1xi1> to vector<256x768xi1>
    %broadcast_in_dim3A_13 = vector.broadcast %jit3A : f32 to vector<256x768xf32>
    %select_n3A = arith.select %broadcast_in_dim3A_12, %get3A_11, %broadcast_in_dim3A_13 : vector<256x768xi1>, vector<256x768xf32>
    %convert_element_type3A = arith.truncf %select_n3A : vector<256x768xf32> to vector<256x768xbf16>
    %get3A_14 = arith.constant 0 : index
    %get3A_15 = arith.constant 0 : index
    %get3A_16 = arith.constant 0 : index
    %get3A_17 = vector.load %arg7[%get3A_14, %get3A_15, %get3A_16] : memref<1x768x768xf32, #tpu.memory_space<vmem>>, vector<1x768x768xf32>
    %get3A_18 = vector.shape_cast %get3A_17 : vector<1x768x768xf32> to vector<768x768xf32>
    %convert_element_type3A_19 = arith.truncf %get3A_18 : vector<768x768xf32> to vector<768x768xbf16>
    %dot_general3A = arith.constant dense<0.000000e+00> : vector<256x768xf32>
    %dot_general3A_20 = tpu.matmul %convert_element_type3A, %convert_element_type3A_19, %dot_general3A {dimension_numbers = #tpu.dot_dimension_numbers<[1], [1], [0], [0], [0, 0, 1, 0], [], []>, transpose_lhs_hint = false} : vector<256x768xbf16>, vector<768x768xbf16>, vector<256x768xf32> -> vector<256x768xf32>
    %get3A_21 = arith.constant 0 : index
    %get3A_22 = arith.constant 0 : index
    %get3A_23 = arith.constant 0 : index
    %get3A_24 = vector.load %arg8[%get3A_21, %get3A_22, %get3A_23] : memref<1x1x128xf32, #tpu.memory_space<vmem>>, vector<1x1x1xf32>
    %get3A_25 = vector.extract %get3A_24[0, 0, 0] : f32 from vector<1x1x1xf32>
    %get3A_26 = arith.constant 0 : index
    %get3A_27 = arith.constant 0 : index
    %get3A_28 = vector.load %arg6[%get3A_26, %get3A_27] : memref<256x128xf32, #tpu.memory_space<vmem>>, vector<256x1xf32>
    %get3A_29 = arith.constant 0 : index
    %get3A_30 = arith.constant 0 : index
    %get3A_31 = arith.constant 0 : index
    %get3A_32 = vector.load %arg9[%get3A_29, %get3A_30, %get3A_31] : memref<1x1x768xf32, #tpu.memory_space<vmem>>, vector<1x1x768xf32>
    %get3A_33 = vector.shape_cast %get3A_32 : vector<1x1x768xf32> to vector<768xf32>
    %broadcast_in_dim3A_34 = vector.shape_cast %get3A_33 : vector<768xf32> to vector<1x768xf32>
    %jit3A_35 = arith.constant 0.000000e+00 : f32
    %broadcast_in_dim3A_36 = vector.shape_cast %and3A : vector<256x1xi1> to vector<256x1xi1>
    %broadcast_in_dim3A_37 = vector.broadcast %broadcast_in_dim3A_36 : vector<256x1xi1> to vector<256x768xi1>
    %broadcast_in_dim3A_38 = vector.shape_cast %broadcast_in_dim3A_34 : vector<1x768xf32> to vector<1x768xf32>
    %broadcast_in_dim3A_39 = vector.broadcast %broadcast_in_dim3A_38 : vector<1x768xf32> to vector<256x768xf32>
    %broadcast_in_dim3A_40 = vector.broadcast %jit3A_35 : f32 to vector<256x768xf32>
    %select_n3A_41 = arith.select %broadcast_in_dim3A_37, %broadcast_in_dim3A_39, %broadcast_in_dim3A_40 : vector<256x768xi1>, vector<256x768xf32>
    %mul3A_42 = vector.broadcast %get3A_25 : f32 to vector<256x768xf32>
    %mul3A_43 = arith.mulf %mul3A_42, %dot_general3A_20 : vector<256x768xf32>
    %add3A_44 = arith.addf %mul3A_43, %select_n3A_41 : vector<256x768xf32>
    %mul3A_45 = vector.broadcast %get3A_28 : vector<256x1xf32> to vector<256x768xf32>
    %mul3A_46 = arith.mulf %mul3A_45, %add3A_44 : vector<256x768xf32>
    %eq3A = arith.constant 0 : i32
    %eq3A_47 = arith.cmpi eq, %arg0, %eq3A : i32
    %sub3A = arith.constant 1 : i32
    %sub3A_48 = arith.subi %arg0, %sub3A : i32
    %max3A = arith.constant 0 : i32
    %max3A_49 = arith.maxsi %sub3A_48, %max3A : i32
    %get3A_50 = arith.index_cast %max3A_49 : i32 to index
    %get3A_51 = memref.load %arg2[%get3A_50] : memref<15xi32, #tpu.memory_space<smem>>
    %ne3A = arith.cmpi ne, %get3A_0, %get3A_51 : i32
    %or3A = arith.ori %eq3A_47, %ne3A : i1
    %convert_element_type3A_52 = arith.extui %or3A : i1 to i32
    %cond3A = arith.constant 0 : i32
    %cond3A_53 = arith.cmpi ne, %convert_element_type3A_52, %cond3A : i32
    scf.if %cond3A_53 {
      %swap3A = arith.constant 0 : index
      %swap3A_58 = arith.constant 0 : index
      %swap3A_59 = vector.load %arg10[%swap3A, %swap3A_58] : memref<256x768xf32, #tpu.memory_space<vmem>>, vector<256x768xf32>
      tpu.vector_store %arg10[%swap3A, %swap3A_58], %mul3A_46 {strides = array<i32>} : memref<256x768xf32, #tpu.memory_space<vmem>>, vector<256x768xf32>,
    } else {
    }
    %not3A = arith.constant true
    %not3A_54 = arith.xori %or3A, %not3A : i1
    %convert_element_type3A_55 = arith.extui %not3A_54 : i1 to i32
    %cond3A_56 = arith.constant 0 : i32
    %cond3A_57 = arith.cmpi ne, %convert_element_type3A_55, %cond3A_56 : i32
    scf.if %cond3A_57 {
      %get3A_58 = arith.constant 0 : index
      %get3A_59 = arith.constant 0 : index
      %get3A_60 = vector.load %arg10[%get3A_58, %get3A_59] : memref<256x768xf32, #tpu.memory_space<vmem>>, vector<256x768xf32>
      %add3A_61 = arith.addf %get3A_60, %mul3A_46 : vector<256x768xf32>
      %swap3A = arith.constant 0 : index
      %swap3A_62 = arith.constant 0 : index
      %swap3A_63 = vector.load %arg10[%swap3A, %swap3A_62] : memref<256x768xf32, #tpu.memory_space<vmem>>, vector<256x768xf32>
      tpu.vector_store %arg10[%swap3A, %swap3A_62], %add3A_61 {strides = array<i32>} : memref<256x768xf32, #tpu.memory_space<vmem>>, vector<256x768xf32>,
    } else {
    }
    return
  }
  func.func @transform_0(%arg0: i32, %arg1: memref<15xi32, #tpu.memory_space<smem>>, %arg2: memref<15xi32, #tpu.memory_space<smem>>, %arg3: memref<15xi32, #tpu.memory_space<smem>>, %arg4: memref<15xi32, #tpu.memory_space<smem>>) -> (i32, i32) {
    %get3A = arith.index_cast %arg0 : i32 to index
    %get3A_0 = memref.load %arg2[%get3A] : memref<15xi32, #tpu.memory_space<smem>>
    %c0_i32 = arith.constant 0 : i32
    %c0_i32_1 = arith.constant 0 : i32
    return %get3A_0, %c0_i32 : i32, i32
  }
  func.func @transform_1(%arg0: i32, %arg1: memref<15xi32, #tpu.memory_space<smem>>, %arg2: memref<15xi32, #tpu.memory_space<smem>>, %arg3: memref<15xi32, #tpu.memory_space<smem>>, %arg4: memref<15xi32, #tpu.memory_space<smem>>) -> (i32, i32) {
    %get3A = arith.index_cast %arg0 : i32 to index
    %get3A_0 = memref.load %arg2[%get3A] : memref<15xi32, #tpu.memory_space<smem>>
    %c0_i32 = arith.constant 0 : i32
    %c0_i32_1 = arith.constant 0 : i32
    return %get3A_0, %c0_i32 : i32, i32
  }
  func.func @transform_2(%arg0: i32, %arg1: memref<15xi32, #tpu.memory_space<smem>>, %arg2: memref<15xi32, #tpu.memory_space<smem>>, %arg3: memref<15xi32, #tpu.memory_space<smem>>, %arg4: memref<15xi32, #tpu.memory_space<smem>>) -> (i32, i32, i32) {
    %get3A = arith.index_cast %arg0 : i32 to index
    %get3A_0 = memref.load %arg1[%get3A] : memref<15xi32, #tpu.memory_space<smem>>
    %c0_i32 = arith.constant 0 : i32
    %c0_i32_1 = arith.constant 0 : i32
    %c0_i32_2 = arith.constant 0 : i32
    return %get3A_0, %c0_i32, %c0_i32_1 : i32, i32, i32
  }
  func.func @transform_3(%arg0: i32, %arg1: memref<15xi32, #tpu.memory_space<smem>>, %arg2: memref<15xi32, #tpu.memory_space<smem>>, %arg3: memref<15xi32, #tpu.memory_space<smem>>, %arg4: memref<15xi32, #tpu.memory_space<smem>>) -> (i32, i32, i32) {
    %get3A = arith.index_cast %arg0 : i32 to index
    %get3A_0 = memref.load %arg1[%get3A] : memref<15xi32, #tpu.memory_space<smem>>
    %c0_i32 = arith.constant 0 : i32
    %c0_i32_1 = arith.constant 0 : i32
    %c0_i32_2 = arith.constant 0 : i32
    return %get3A_0, %c0_i32, %c0_i32_1 : i32, i32, i32
  }
  func.func @transform_4(%arg0: i32, %arg1: memref<15xi32, #tpu.memory_space<smem>>, %arg2: memref<15xi32, #tpu.memory_space<smem>>, %arg3: memref<15xi32, #tpu.memory_space<smem>>, %arg4: memref<15xi32, #tpu.memory_space<smem>>) -> (i32, i32, i32) {
    %get3A = arith.index_cast %arg0 : i32 to index
    %get3A_0 = memref.load %arg1[%get3A] : memref<15xi32, #tpu.memory_space<smem>>
    %c0_i32 = arith.constant 0 : i32
    %c0_i32_1 = arith.constant 0 : i32
    %c0_i32_2 = arith.constant 0 : i32
    return %get3A_0, %c0_i32, %c0_i32_1 : i32, i32, i32
  }
  func.func @transform_5(%arg0: i32, %arg1: memref<15xi32, #tpu.memory_space<smem>>, %arg2: memref<15xi32, #tpu.memory_space<smem>>, %arg3: memref<15xi32, #tpu.memory_space<smem>>, %arg4: memref<15xi32, #tpu.memory_space<smem>>) -> (i32, i32) {
    %get3A = arith.index_cast %arg0 : i32 to index
    %get3A_0 = memref.load %arg2[%get3A] : memref<15xi32, #tpu.memory_space<smem>>
    %c0_i32 = arith.constant 0 : i32
    %c0_i32_1 = arith.constant 0 : i32
    return %get3A_0, %c0_i32 : i32, i32
  }
}

</mosaic_0001>

<sc_bundles>
// kernel: kernel.10.cloned.1.call-start
scs
__scs_entry_jumppad:
0x0: {  	(pc) =	sbr.rel $0x88, $3  }
0x1: {  	(tag) =	ssettag $0x0;
	lr =	simm.s32 $0x1  }
0x2: {  	[smem:$0x3F99] =	sst lr;
	_ =	strace $0xD0000000  }
0x3: {  	_ = 	snop  }
0x4: {  	_ = 	snop  }
0x5: {  	_ = 	snop  }
0x6: {  	_ = 	snop  }
0x7: {  	_ = 	snop  }
__scs_overlays_trampoline_lowered:
0x8: {  	[smem:$0x3FA8] =	sst s0  }
0x9: {  	[smem:$0x3FA9] =	sst s1  }
0xa: {  	[smem:$0x3FAA] =	sst s2  }
0xb: {  	[smem:$0x3FAB] =	sst s3  }
0xc: {  	[smem:$0x3FAC] =	sst s4  }
0xd: {  	[smem:$0x3FAD] =	sst s5  }
0xe: {  	[smem:$0x3FAE] =	sst s6  }
0xf: {  	[smem:$0x3FAF] =	sst s7  }
0x10: {  	[smem:$0x3FB0] =	sst s8  }
0x11: {  	[smem:$0x3FB1] =	sst s9;
	s0 =	simm.s32 @!p0 $0x0  }
0x12: {  	s1 =	sld [smem:$0x3F97];
	s0 =	simm.s32 @p0 $0x1  }
0x13: {  	[smem:$0x3FB2] =	sst s0;
	s0 =	simm.s32 @!p1 $0x0  }
0x14: {  	s2 =	sld [smem:$0x3F96];
	s0 =	simm.s32 @p1 $0x1  }
0x15: {  	[smem:$0x3FB3] =	sst s0;
	s0 =	simm.s32 @!p2 $0x0  }
0x16: {  	s3 =	sld [smem:$0x3FDB];
	s0 =	simm.s32 @p2 $0x1  }
0x17: {  	s4 =	simm.s32 $0x1BF5;
	[smem:$0x3FB5] =	sst s0  }
0x18: {  	s0 =	sld [smem:$0x3F98];
	_ =	swait.ge [sflag:s4], $0x0  }
0x19: {  	s7 =	sld [smem:$0x3F99]  }
0x1a: {  	s8 =	sadd.s32 $0xFFFFE003, lr  }
0x1b: {  	s9 =	sadd.s32 $0xFFFFFEF7, lr;
	s5 =	simm.s32 $0xFFFFFFFF;
	p2 =	slt.u32 s8, $0xFFFFF086  }
0x1c: {  	p1 =	slt.u32 s9, $0xF7A;
	s5 =	simm.s32 @!p2 $0x0  }
0x1d: {  	s5 =	simm.s32 @p1 $0x1;
	p0 =	seq.s32 s7, s2  }
0x1e: {  	s7 =	smul.u32 @!p0 $0xF7A, s2;
	p2 =	seq.s32 @!p0 s5, $0x0  }
0x1f: {  	s9 =	smul.u32 $0xF7A, s1;
	s8 =	simm.s32 @!p0 $0x1BF5;
	p2 =	por !p2, p0  }
0x20: {  	[sflag:s8] =	ssyncset.s32 @!p0 $0xFFFFF086;
	s6 =	sadd.s32 @!p0 s3, s7;
	s7 =	simm.s32 @!p0 $0x108  }
0x21: {  	s3 =	sadd.s32 s3, s9;
	s6 =	sadd.s32 @!p0 $0x88, s6;
	s7 =	simm.s32 @p2 $0x1082  }
0x22: {  	[simem:s7], [sflag:s8] =	dma.local @!p0 [hbm:s6], $0xF7A  }
0x23: {  	s9 =	sor.u32 $0xD0000000, s2;
	s6 =	simm.s32 $0x108;
	_ =	swait.ge @!p0 [sflag:s8], $0x0  }
0x24: {  	s3 =	sadd.s32 $0x88, s3;
	s6 =	simm.s32 @!p1 $0x1082;
	[sflag:s4] =	ssyncset.s32 $0xFFFFF086  }
0x25: {  	[simem:s6], [sflag:s4] =	dma.local [hbm:s3], $0xF7A  }
0x26: {  	[smem:$0x3F99] =	sst s1;
	(tag) =	ssettag s2;
	_ =	strace s9  }
0x27: {  	s1 =	sld [smem:$0x3FA9]  }
0x28: {  	s2 =	sld [smem:$0x3FAA]  }
0x29: {  	s4 =	sld [smem:$0x3FAC]  }
0x2a: {  	p0 =	seq.s32 s5, $0x0;
	s5 =	sld [smem:$0x3FAD]  }
0x2b: {  	s6 =	sld [smem:$0x3FAE]  }
0x2c: {  	s7 =	sld [smem:$0x3FAF]  }
0x2d: {  	s3 =	simm.s32 $0x108;
	s8 =	sld [smem:$0x3FB0]  }
0x2e: {  	s3 =	simm.s32 @!p0 $0x1082;
	s9 =	sld [smem:$0x3FB1]  }
0x2f: {  	lr =	sadd.s32 s0, s3;
	s0 =	sld [smem:$0x3FA8]  }
0x30: {  	s3 =	sld [smem:$0x3FAB]  }
0x31: {  	[smem:$0x3FB4] =	sst s10  }
0x32: {  	s10 =	sld [smem:$0x3FB2];
	_ =	sdelay $0x3  }
0x33: {  	p0 =	seq.s32 s10, $0x1;
	s10 =	sld [smem:$0x3FB4];
	_ =	sdelay $0x3  }
0x34: {  	[smem:$0x3FB4] =	sst s10  }
0x35: {  	s10 =	sld [smem:$0x3FB3];
	_ =	sdelay $0x3  }
0x36: {  	p1 =	seq.s32 s10, $0x1;
	s10 =	sld [smem:$0x3FB4];
	_ =	sdelay $0x3  }
0x37: {  	[smem:$0x3FB4] =	sst s10  }
0x38: {  	s10 =	sld [smem:$0x3FB5]  }
0x39: {  	_ = 	snop;
	(pc) =	sbr.ind lr, $3  }
0x3a: {  	_ = 	snop  }
0x3b: {  	_ = 	snop  }
0x3c: {  	p2 =	seq.s32 s10, $0x1;
	s10 =	sld [smem:$0x3FB4]  }
0x3d: {  	_ =	shalt  }
0x3e: {  	_ =	shalt  }
0x3f: {  	_ =	shalt  }
0x40: {  	_ =	shalt  }
0x41: {  	_ =	shalt  }
0x42: {  	_ =	shalt  }
0x43: {  	_ =	shalt  }
0x44: {  	_ =	shalt  }
0x45: {  	_ =	shalt  }
0x46: {  	_ =	shalt  }
0x47: {  	_ =	shalt  }
0x48: {  	_ =	shalt  }
0x49: {  	_ =	shalt  }
0x4a: {  	_ =	shalt  }
0x4b: {  	_ =	shalt  }
0x4c: {  	_ =	shalt  }
0x4d: {  	_ =	shalt  }
0x4e: {  	_ =	shalt  }
0x4f: {  	_ =	shalt  }
0x50: {  	_ =	shalt  }
0x51: {  	_ =	shalt  }
0x52: {  	_ =	shalt  }
0x53: {  	_ =	shalt  }
0x54: {  	_ =	shalt  }
0x55: {  	_ =	shalt  }
0x56: {  	_ =	shalt  }
0x57: {  	_ =	shalt  }
0x58: {  	_ =	shalt  }
0x59: {  	_ =	shalt  }
0x5a: {  	_ =	shalt  }
0x5b: {  	_ =	shalt  }
0x5c: {  	_ =	shalt  }
0x5d: {  	_ =	shalt  }
0x5e: {  	_ =	shalt  }
0x5f: {  	_ =	shalt  }
0x60: {  	_ =	shalt  }
0x61: {  	_ =	shalt  }
0x62: {  	_ =	shalt  }
0x63: {  	_ =	shalt  }
0x64: {  	_ =	shalt  }
0x65: {  	_ =	shalt  }
0x66: {  	_ =	shalt  }
0x67: {  	_ =	shalt  }
0x68: {  	_ =	shalt  }
0x69: {  	_ =	shalt  }
0x6a: {  	_ =	shalt  }
0x6b: {  	_ =	shalt  }
0x6c: {  	_ =	shalt  }
0x6d: {  	_ =	shalt  }
0x6e: {  	_ =	shalt  }
0x6f: {  	_ =	shalt  }
0x70: {  	_ =	shalt  }
0x71: {  	_ =	shalt  }
0x72: {  	_ =	shalt  }
0x73: {  	_ =	shalt  }
0x74: {  	_ =	shalt  }
0x75: {  	_ =	shalt  }
0x76: {  	_ =	shalt  }
0x77: {  	_ =	shalt  }
0x78: {  	_ =	shalt  }
0x79: {  	_ =	shalt  }
0x7a: {  	_ =	shalt  }
0x7b: {  	_ =	shalt  }
0x7c: {  	_ =	shalt  }
0x7d: {  	_ =	shalt  }
0x7e: {  	_ =	shalt  }
0x7f: {  	_ =	shalt  }
0x80: {  	_ =	shalt  }
0x81: {  	_ =	shalt  }
0x82: {  	_ =	shalt  }
0x83: {  	_ =	shalt  }
0x84: {  	_ =	shalt  }
0x85: {  	_ =	shalt  }
0x86: {  	_ =	shalt  }
0x87: {  	_ =	shalt  }
.Lfunc_end0:
.L_simem_size_0:
called_computation.1_lowered:
.L_overlay_start_0:
0x88: {  	s2 =	sld [smem:$0x3FD9]  }
0x89: {  	s3 =	sld [smem:$0x3FFE];
	_ =	sdelay $0x1  }
0x8a: {  	s1 =	srdreg.scid  }
0x8b: {  	s0 =	sand.u32 $0x1, s1  }
0x8c: {  	s17 =	sshll.u32 s0, $0xA;
	s2 =	sadd.s32 s3, s2  }
0x8d: {  	s2 =	sadd.s32 s2, s17  }
0x8e: {  	[smem:$0x3FC0] =	sst s2  }
0x8f: {  	_ = 	snop  }
0x90: {  	s2 =	sld [smem:$0x3FD0];
	(tm) =	ssettm $0x1  }
0x91: {  	s18 =	sld [smem:$0x3FFB];
	_ =	sdelay $0x3  }
0x92: {  	_ =	strace s18  }
0x93: {  	s3 =	sld [smem:$0x3FFC];
	_ =	sdelay $0x3  }
0x94: {  	_ =	strace s3  }
0x95: {  	s3 =	sld [smem:$0x3FFD];
	_ =	sdelay $0x3  }
0x96: {  	_ =	strace s3  }
0x97: {  	_ =	strace $0x8FFFFFFF  }
0x98: {  	s19 =	sld [smem:$0x3FDB];
	_ =	sdelay $0x1  }
0x99: {  	s4 =	simm.s32 $_scs_section_size  }
0x9a: {  	s5 =	simm.s32 $_size__tile_overlayer_lowered;
	s6 =	simm.s32 $_tile_overlayer_lowered  }
0x9b: {  	s22 =	simm.s32 $0x1BFF;
	s21 =	sshll.u32 s6, $0x1;
	s3 =	sadd.s32 s4, s19  }
0x9c: {  	s7 =	simm.s32 $0x0;
	s20 =	sshll.u32 s5, $0x1;
	s5 =	sadd.s32 s21, s3  }
0x9d: {  	[timem:s7], [sflag:s22] =	dma.local [hbm:s5], s20  }
0x9e: {  	_ =	swait.ge [sflag:s22], s20  }
0x9f: {  	s4 =	ssub.s32 $0x0, s20;
	[sflag:s22] =	ssyncset.done $0x0  }
0xa0: {  	[sflag:s22] =	ssyncadd.s32 s4;
	_ =	sdelay $0x1  }
0xa1: {  	s23 =	simm.s32 $0x1B8B  }
0xa2: {  	_ =	swait.ge [sflag:s23], $0x1  }
0xa3: {  	[sflag:s23] =	ssyncset.done $0x0  }
0xa4: {  	s25 =	simm.s32 $0x1B8E;
	s24 =	sld [smem:$0x3FFE];
	[sflag:s23] =	ssyncadd.s32 $0xFFFFFFFF  }
0xa5: {  	s26 =	simm.s32 $execute0_lowered;
	[smem:$0x3FD2] =	sst s25  }
0xa6: {  	s5 =	sshll.u32 s26, $0x1;
	_ =	strace $0x80000049;
	[dreg:$0x1] =	wrdreg $0xFFFFFFFF  }
0xa7: {  	s28 =	simm.s32 $_size_execute0_lowered;
	s3 =	sadd.s32 s3, s5;
	[dreg:$0x0] =	wrdreg $0x0  }
0xa8: {  	s5 =	sshll.u32 s28, $0x1;
	[dreg:$0x2] =	wrdreg s3  }
0xa9: {  	[dreg:$0x3] =	wrdreg s5  }
0xaa: {  	[dreg:$0x4] =	wrdreg $0xC0  }
0xab: {  	_ =	task [dreg:s7], $0x5FFFF  }
0xac: {  	[dreg:$0x1] =	wrdreg $0xFFFFFFFF  }
0xad: {  	[dreg:$0x0] =	wrdreg $0x60  }
0xae: {  	[dreg:$0x2] =	wrdreg s24  }
0xaf: {  	[dreg:$0x3] =	wrdreg s2  }
0xb0: {  	[dreg:$0x4] =	wrdreg $0x9  }
0xb1: {  	_ =	task.clear_ibuf [dreg:s7], $0x5FFFF;
	_ =	strace $0x90000049  }
0xb2: {  	s29 =	simm.s32 $0x9;
	_ =	strace $0x8000004B  }
0xb3: {  	_ =	swait.ge [sflag:s29], $0x1  }
0xb4: {  	[sflag:s29] =	ssyncadd.s32 $0xFFFFFFFF  }
0xb5: {  	_ =	strace $0x9000004B  }
0xb6: {  	_ =	sfence  }
0xb7: {  	s30 =	sld [smem:$0x0];
	_ =	sdelay $0x2  }
0xb8: {  	s31 =	sshll.u32 s1, $0xD;
	s1 =	sshrl.u32 s1, $0x2  }
0xb9: {  	s3 =	sand.u32 $0x4000, s31;
	s1 =	sadd.s32 s1, s30  }
0xba: {  	s0 =	sor.u32 s3, s0;
	s1 =	sshll.u32 s1, $0x11  }
0xbb: {  	s0 =	sor.u32 s1, s0  }
0xbc: {  	s0 =	sadd.s32 $0x8F2B, s0  }
0xbd: {  	[sflag:s0] =	ssyncadd.remote.s32 $0x1  }
0xbe: {  	_ =	sfence.sel $0xFFFF  }
0xbf: {  	[dreg:$0x0] =	wrdreg $0xFFFFFFFF;
	(pc) =	sbr.abs _section_cstart, $3  }
0xc0: {  	[dreg:$0x1] =	wrdreg $0xFFFFFFFF  }
0xc1: {  	_ =	task.clear_ibuf [dreg:s7], $0x2FFFF;
	_ =	strace $0x9FFFFFFF  }
0xc2: {  	(tm) =	ssettm $0x7FFFFFFF  }
0xc3: {  	_ =	shalt  }
tec
execute0_lowered:
.L_overlay_start_1:
0x0: {  	(tag) =	ssettag $0x1  }
0x1: {  	s0 =	rddreg [dreg:$0x0]  }
0x2: {  	s5 =	rddreg [dreg:$0x1];
	s3 =	srdreg.scid  }
0x3: {  	s2 =	simm.s32 $0x0;
	s1 =	stileid.u32;
	s26 =	simm.s32 $0x880  }
0x4: {  	s10 =	simm.s32 $0x1880;
	s11 =	simm.s32 $0x2080;
	s12 =	simm.s32 $0x2880  }
0x5: {  	s13 =	simm.s32 $0x3080;
	s14 =	simm.s32 $0x3880;
	s15 =	simm.s32 $0x4080  }
0x6: {  	s16 =	simm.s32 $0x4880;
	s17 =	simm.s32 $0x5080;
	s18 =	simm.s32 $0x5880  }
0x7: {  	s19 =	simm.s32 $0x6080;
	s20 =	simm.s32 $0x6880;
	s21 =	simm.s32 $0x7080  }
0x8: {  	s22 =	simm.s32 $0x7880;
	s28 =	simm.s32 $0xA080;
	s29 =	simm.s32 $0xA880  }
0x9: {  	s30 =	simm.s32 $0xB080;
	s31 =	simm.s32 $0xB880;
	s3 =	sand.u32 $0x1, s3  }
0xa: {  	[smem:$0x7FF] =	sst s2;
	s4 =	sshll.u32 s1, $0x4;
	s6 =	sshll.u32 s3, $0x3  }
0xb: {  	_ =	strace $0x8000004A;
	s23 =	ssub.s32 $0x2, s3;
	s3 =	sadd.s32 $0xA400, s0  }
0xc: {  	[dreg:$0x5] =	wrdreg s26;
	s26 =	simm.s32 $0x9880;
	s4 =	sor.u32 s6, s4  }
0xd: {  	s8 =	sshrl.u32 s23, $0x1;
	s7 =	sadd.s32 s4, s0;
	s9 =	smul.u32 $0x300, s4  }
0xe: {  	s6 =	ssub.s32 s23, s8;
	s4 =	sadd.s32 $0xA500, s0;
	s8 =	simm.s32 $0x80  }
0xf: {  	s23 =	simm.s32 $0x8080;
	s24 =	sadd.s32 $0xA200, s7;
	s6 =	smax.u32 s6, $0x1  }
0x10: {  	v2 =	vlaneseq.u32;
	s7 =	simm.s32 $0x2;
	[dreg:$0x3] =	wrdreg s24;
	s25 =	sadd.s32 s5, s9  }
0x11: {  	vm0 =	vmmov $0xffff;
	v1 =	vshrl.u32 v2, $0x3;
	s5 =	sadd.s32 $0xA600, s0;
	s9 =	simm.s32 $0x1080;
	s24 =	simm.s32 $0x8880  }
0x12: {  	v0 =	vand.u32 $0x7, v2;
	v2 =	vor.u32 $0x8, v2;
	v1 =	vmul.u32 $0x8, v1;
	s0 =	simm.s32 $0x1;
	[dreg:$0x4] =	wrdreg s25;
	s25 =	simm.s32 $0x9080  }
.LBB2_1:
0x13: {  	s1 =	rddreg [dreg:$0x3]  }
0x14: {  	[tilespmem:s2], [sflag:$0x2] =	stream.linear.gather [hbm4b:s1+s2], $0x40, $0x38;
	[tilespmem:$0xC080] =	vst v63  }
0x15: {  	_ =	swait.ge [sflag:s7], $0x40  }
0x16: {  	[sflag:s7] =	ssyncset.done $0x0  }
0x17: {  	[sflag:s7] =	ssyncadd.s32 $0xFFFFFFC0  }
0x18: {  	v3 =	vld [tilespmem:$0x0];
	_ =	sdelay $0x4  }
0x19: {  	v4 =	vshrl.u32 v3, $0x3  }
0x1a: {  	v4 =	vmul.u32 $0x30, v4  }
0x1b: {  	v3 =	vand.u32 $0x7, v3  }
0x1c: {  	v3 =	vor.u32 v3, v4  }
0x1d: {  	v4 =	vperm.xlane v3, v0;
	_ =	sdelay $0x1  }
0x1e: {  	v4 =	vadd.s32 v1, v4;
	_ =	sdelay $0x3  }
0x1f: {  	v3 =	vperm.xlane v3, v2  }
0x20: {  	[tilespmem:s8], [sflag:$0x1] =	stream.indirect_vreg.gather [hbm4b:s3+s2], $0x80, v4, vm0, $0xb8;
	[tilespmem:$0xC080] =	vst v63  }
0x21: {  	s1 =	rddreg [dreg:$0x5];
	v3 =	vadd.s32 v1, v3  }
0x22: {  	[tilespmem:s1], [sflag:$0x1] =	stream.indirect_vreg.gather [hbm4b:s4+s2], $0x80, v4, vm0, $0xb8;
	[tilespmem:$0xC080] =	vst v63  }
0x23: {  	_ = 	snop  }
0x24: {  	[tilespmem:s9], [sflag:$0x1] =	stream.indirect_vreg.gather [hbm4b:s5+s2], $0x80, v4, vm0, $0xb8;
	[tilespmem:$0xC080] =	vst v63  }
0x25: {  	_ = 	snop  }
0x26: {  	[tilespmem:s10], [sflag:$0x1] =	stream.indirect_vreg.gather [hbm4b:s3+s2], $0x80, v3, vm0, $0xb8;
	[tilespmem:$0xC080] =	vst v63  }
0x27: {  	_ = 	snop  }
0x28: {  	[tilespmem:s11], [sflag:$0x1] =	stream.indirect_vreg.gather [hbm4b:s4+s2], $0x80, v3, vm0, $0xb8;
	[tilespmem:$0xC080] =	vst v63  }
0x29: {  	_ = 	snop  }
0x2a: {  	[tilespmem:s12], [sflag:$0x1] =	stream.indirect_vreg.gather [hbm4b:s5+s2], $0x80, v3, vm0, $0xb8;
	[tilespmem:$0xC080] =	vst v63  }
0x2b: {  	v3 =	vld [tilespmem:$0x10];
	_ =	sdelay $0x4  }
0x2c: {  	v61 =	vshrl.u32 v3, $0x3  }
0x2d: {  	v4 =	vmul.u32 $0x30, v61  }
0x2e: {  	v3 =	vand.u32 $0x7, v3  }
0x2f: {  	v3 =	vor.u32 v3, v4  }
0x30: {  	v4 =	vperm.xlane v3, v0;
	_ =	sdelay $0x1  }
0x31: {  	v4 =	vadd.s32 v1, v4;
	_ =	sdelay $0x3  }
0x32: {  	v3 =	vperm.xlane v3, v2  }
0x33: {  	[tilespmem:s13], [sflag:$0x1] =	stream.indirect_vreg.gather [hbm4b:s3+s2], $0x80, v4, vm0, $0xb8;
	[tilespmem:$0xC080] =	vst v63  }
0x34: {  	v3 =	vadd.s32 v1, v3  }
0x35: {  	[tilespmem:s14], [sflag:$0x1] =	stream.indirect_vreg.gather [hbm4b:s4+s2], $0x80, v4, vm0, $0xb8;
	[tilespmem:$0xC080] =	vst v63  }
0x36: {  	_ = 	snop  }
0x37: {  	[tilespmem:s15], [sflag:$0x1] =	stream.indirect_vreg.gather [hbm4b:s5+s2], $0x80, v4, vm0, $0xb8;
	[tilespmem:$0xC080] =	vst v63  }
0x38: {  	_ = 	snop  }
0x39: {  	[tilespmem:s16], [sflag:$0x1] =	stream.indirect_vreg.gather [hbm4b:s3+s2], $0x80, v3, vm0, $0xb8;
	[tilespmem:$0xC080] =	vst v63  }
0x3a: {  	_ = 	snop  }
0x3b: {  	[tilespmem:s17], [sflag:$0x1] =	stream.indirect_vreg.gather [hbm4b:s4+s2], $0x80, v3, vm0, $0xb8;
	[tilespmem:$0xC080] =	vst v63  }
0x3c: {  	_ = 	snop  }
0x3d: {  	[tilespmem:s18], [sflag:$0x1] =	stream.indirect_vreg.gather [hbm4b:s5+s2], $0x80, v3, vm0, $0xb8;
	[tilespmem:$0xC080] =	vst v63  }
0x3e: {  	v3 =	vld [tilespmem:$0x20];
	_ =	sdelay $0x4  }
0x3f: {  	v62 =	vshrl.u32 v3, $0x3  }
0x40: {  	v4 =	vmul.u32 $0x30, v62  }
0x41: {  	v3 =	vand.u32 $0x7, v3  }
0x42: {  	v3 =	vor.u32 v3, v4  }
0x43: {  	v4 =	vperm.xlane v3, v0;
	_ =	sdelay $0x1  }
0x44: {  	v4 =	vadd.s32 v1, v4;
	_ =	sdelay $0x3  }
0x45: {  	v3 =	vperm.xlane v3, v2  }
0x46: {  	[tilespmem:s19], [sflag:$0x1] =	stream.indirect_vreg.gather [hbm4b:s3+s2], $0x80, v4, vm0, $0xb8;
	[tilespmem:$0xC080] =	vst v63  }
0x47: {  	v3 =	vadd.s32 v1, v3  }
0x48: {  	[tilespmem:s20], [sflag:$0x1] =	stream.indirect_vreg.gather [hbm4b:s4+s2], $0x80, v4, vm0, $0xb8;
	[tilespmem:$0xC080] =	vst v63  }
0x49: {  	_ = 	snop  }
0x4a: {  	[tilespmem:s21], [sflag:$0x1] =	stream.indirect_vreg.gather [hbm4b:s5+s2], $0x80, v4, vm0, $0xb8;
	[tilespmem:$0xC080] =	vst v63  }
0x4b: {  	_ = 	snop  }
0x4c: {  	[tilespmem:s22], [sflag:$0x1] =	stream.indirect_vreg.gather [hbm4b:s3+s2], $0x80, v3, vm0, $0xb8;
	[tilespmem:$0xC080] =	vst v63  }
0x4d: {  	_ = 	snop  }
0x4e: {  	[tilespmem:s23], [sflag:$0x1] =	stream.indirect_vreg.gather [hbm4b:s4+s2], $0x80, v3, vm0, $0xb8;
	[tilespmem:$0xC080] =	vst v63  }
0x4f: {  	_ = 	snop  }
0x50: {  	[tilespmem:s24], [sflag:$0x1] =	stream.indirect_vreg.gather [hbm4b:s5+s2], $0x80, v3, vm0, $0xb8;
	[tilespmem:$0xC080] =	vst v63  }
0x51: {  	v3 =	vld [tilespmem:$0x30];
	_ =	sdelay $0x4  }
0x52: {  	v63 =	vshrl.u32 v3, $0x3  }
0x53: {  	v4 =	vmul.u32 $0x30, v63  }
0x54: {  	v3 =	vand.u32 $0x7, v3  }
0x55: {  	v3 =	vor.u32 v3, v4  }
0x56: {  	v4 =	vperm.xlane v3, v0;
	_ =	sdelay $0x1  }
0x57: {  	v4 =	vadd.s32 v1, v4;
	_ =	sdelay $0x3  }
0x58: {  	v3 =	vperm.xlane v3, v2  }
0x59: {  	[tilespmem:s25], [sflag:$0x1] =	stream.indirect_vreg.gather [hbm4b:s3+s2], $0x80, v4, vm0, $0xb8;
	[tilespmem:$0xC080] =	vst v63  }
0x5a: {  	v3 =	vadd.s32 v1, v3  }
0x5b: {  	[tilespmem:s26], [sflag:$0x1] =	stream.indirect_vreg.gather [hbm4b:s4+s2], $0x80, v4, vm0, $0xb8;
	[tilespmem:$0xC080] =	vst v63  }
0x5c: {  	_ = 	snop  }
0x5d: {  	[tilespmem:s28], [sflag:$0x1] =	stream.indirect_vreg.gather [hbm4b:s5+s2], $0x80, v4, vm0, $0xb8;
	[tilespmem:$0xC080] =	vst v63  }
0x5e: {  	_ = 	snop  }
0x5f: {  	[tilespmem:s29], [sflag:$0x1] =	stream.indirect_vreg.gather [hbm4b:s3+s2], $0x80, v3, vm0, $0xb8;
	[tilespmem:$0xC080] =	vst v63  }
0x60: {  	_ = 	snop  }
0x61: {  	[tilespmem:s30], [sflag:$0x1] =	stream.indirect_vreg.gather [hbm4b:s4+s2], $0x80, v3, vm0, $0xb8;
	[tilespmem:$0xC080] =	vst v63  }
0x62: {  	_ = 	snop  }
0x63: {  	[tilespmem:s31], [sflag:$0x1] =	stream.indirect_vreg.gather [hbm4b:s5+s2], $0x80, v3, vm0, $0xb8;
	[tilespmem:$0xC080] =	vst v63  }
0x64: {  	_ =	swait.ge [sflag:s0], $0xC000  }
0x65: {  	p0 =	sne.s32 s6, $0x1;
	[sflag:s0] =	ssyncset.done $0x0  }
.Ltmp0:
0x66: {  	s1 =	rddreg [dreg:$0x4];
	[sflag:s0] =	ssyncadd.s32 $0xFFFF4000;
	(pc) =	sbr.rel @p0 .LBB2_1-.Ltmp0, $4  }
0x67: {  	[hbm4b:s1+s2] =	stream.linear.scatter [tilespmem:s8], [sflag:$0x2], $0xC000, $0x38;
	[tilespmem:$0xC080] =	vst v63  }
0x68: {  	_ =	swait.ge [sflag:s7], $0xC000  }
0x69: {  	[sflag:s7] =	ssyncset.done $0x0  }
0x6a: {  	s6 =	sadd.s32 $0xFFFFFFFF, s6;
	[sflag:s7] =	ssyncadd.s32 $0xFFFF4000  }
0x6b: {  	_ =	sfence.sel $0x180000  }
0x6c: {  	[bflag:$0x0] =	sbarrier.arrive $0xFFFF  }
0x6d: {  	_ =	strace $0x9000004A  }
0x6e: {  	s0 =	stileid.u32;
	[bflag:$0x2] =	sbarrier.arrive $0xFFFF  }
0x6f: {  	p0 =	sne.s32 s0, $0x0;
	s0 =	rddreg [dreg:$0x2]  }
0x70: {  	s0 =	sadd.s32 @!p0 $0x100000, s0  }
0x71: {  	[sflag:s0] =	ssyncadd.tile.s32 @!p0 $0x1;
	_ =	shalt  }
.Lfunc_end2:
_tile_overlayer_lowered:
.L_overlay_start_2:
0x72: {  	(tag) =	ssettag $0x2  }
0x73: {  	s0 =	rddreg [dreg:$0x0];
	s2 =	stileid.u32  }
0x74: {  	s1 =	rddreg [dreg:$0x1];
	p0 =	sne.s32 s2, $0x0  }
0x75: {  	s3 =	rddreg [dreg:$0x2];
	[bflag:$0x3] =	sbarrier.arrive $0xFFFF;
	s2 =	simm.s32 @!p0 $0x1C02  }
0x76: {  	[timem:s3], [sflag:s2] =	dma.local @!p0 [hbm:s0], s1  }
0x77: {  	s0 =	simm.s32 @!p0 $0x2  }
0x78: {  	_ =	swait.ge @!p0 [sflag:s0], s1  }
0x79: {  	s1 =	ssub.s32 @!p0 $0x0, s1;
	[sflag:s0] =	ssyncset.done @!p0 $0x0  }
0x7a: {  	[sflag:s0] =	ssyncadd.s32 @!p0 s1  }
0x7b: {  	[bflag:$0x3] =	sbarrier.arrive $0xFFFF  }
0x7c: {  	_ =	shalt  }

// kernel: kernel.7.cloned.1.call-start
scs
__scs_entry_jumppad:
0x0: {  	(pc) =	sbr.rel $0x88, $3  }
0x1: {  	(tag) =	ssettag $0x0;
	lr =	simm.s32 $0x1  }
0x2: {  	[smem:$0x3F99] =	sst lr;
	_ =	strace $0xD0000000  }
0x3: {  	_ = 	snop  }
0x4: {  	_ = 	snop  }
0x5: {  	_ = 	snop  }
0x6: {  	_ = 	snop  }
0x7: {  	_ = 	snop  }
__scs_overlays_trampoline_lowered:
0x8: {  	[smem:$0x3FA8] =	sst s0  }
0x9: {  	[smem:$0x3FA9] =	sst s1  }
0xa: {  	[smem:$0x3FAA] =	sst s2  }
0xb: {  	[smem:$0x3FAB] =	sst s3  }
0xc: {  	[smem:$0x3FAC] =	sst s4  }
0xd: {  	[smem:$0x3FAD] =	sst s5  }
0xe: {  	[smem:$0x3FAE] =	sst s6  }
0xf: {  	[smem:$0x3FAF] =	sst s7  }
0x10: {  	[smem:$0x3FB0] =	sst s8  }
0x11: {  	[smem:$0x3FB1] =	sst s9;
	s0 =	simm.s32 @!p0 $0x0  }
0x12: {  	s1 =	sld [smem:$0x3F97];
	s0 =	simm.s32 @p0 $0x1  }
0x13: {  	[smem:$0x3FB2] =	sst s0;
	s0 =	simm.s32 @!p1 $0x0  }
0x14: {  	s2 =	sld [smem:$0x3F96];
	s0 =	simm.s32 @p1 $0x1  }
0x15: {  	[smem:$0x3FB3] =	sst s0;
	s0 =	simm.s32 @!p2 $0x0  }
0x16: {  	s3 =	sld [smem:$0x3FDB];
	s0 =	simm.s32 @p2 $0x1  }
0x17: {  	s4 =	simm.s32 $0x1BF5;
	[smem:$0x3FB5] =	sst s0  }
0x18: {  	s0 =	sld [smem:$0x3F98];
	_ =	swait.ge [sflag:s4], $0x0  }
0x19: {  	s7 =	sld [smem:$0x3F99]  }
0x1a: {  	s8 =	sadd.s32 $0xFFFFE003, lr  }
0x1b: {  	s9 =	sadd.s32 $0xFFFFFEF7, lr;
	s5 =	simm.s32 $0xFFFFFFFF;
	p2 =	slt.u32 s8, $0xFFFFF086  }
0x1c: {  	p1 =	slt.u32 s9, $0xF7A;
	s5 =	simm.s32 @!p2 $0x0  }
0x1d: {  	s5 =	simm.s32 @p1 $0x1;
	p0 =	seq.s32 s7, s2  }
0x1e: {  	s7 =	smul.u32 @!p0 $0xF7A, s2;
	p2 =	seq.s32 @!p0 s5, $0x0  }
0x1f: {  	s9 =	smul.u32 $0xF7A, s1;
	s8 =	simm.s32 @!p0 $0x1BF5;
	p2 =	por !p2, p0  }
0x20: {  	[sflag:s8] =	ssyncset.s32 @!p0 $0xFFFFF086;
	s6 =	sadd.s32 @!p0 s3, s7;
	s7 =	simm.s32 @!p0 $0x108  }
0x21: {  	s3 =	sadd.s32 s3, s9;
	s6 =	sadd.s32 @!p0 $0x88, s6;
	s7 =	simm.s32 @p2 $0x1082  }
0x22: {  	[simem:s7], [sflag:s8] =	dma.local @!p0 [hbm:s6], $0xF7A  }
0x23: {  	s9 =	sor.u32 $0xD0000000, s2;
	s6 =	simm.s32 $0x108;
	_ =	swait.ge @!p0 [sflag:s8], $0x0  }
0x24: {  	s3 =	sadd.s32 $0x88, s3;
	s6 =	simm.s32 @!p1 $0x1082;
	[sflag:s4] =	ssyncset.s32 $0xFFFFF086  }
0x25: {  	[simem:s6], [sflag:s4] =	dma.local [hbm:s3], $0xF7A  }
0x26: {  	[smem:$0x3F99] =	sst s1;
	(tag) =	ssettag s2;
	_ =	strace s9  }
0x27: {  	s1 =	sld [smem:$0x3FA9]  }
0x28: {  	s2 =	sld [smem:$0x3FAA]  }
0x29: {  	s4 =	sld [smem:$0x3FAC]  }
0x2a: {  	p0 =	seq.s32 s5, $0x0;
	s5 =	sld [smem:$0x3FAD]  }
0x2b: {  	s6 =	sld [smem:$0x3FAE]  }
0x2c: {  	s7 =	sld [smem:$0x3FAF]  }
0x2d: {  	s3 =	simm.s32 $0x108;
	s8 =	sld [smem:$0x3FB0]  }
0x2e: {  	s3 =	simm.s32 @!p0 $0x1082;
	s9 =	sld [smem:$0x3FB1]  }
0x2f: {  	lr =	sadd.s32 s0, s3;
	s0 =	sld [smem:$0x3FA8]  }
0x30: {  	s3 =	sld [smem:$0x3FAB]  }
0x31: {  	[smem:$0x3FB4] =	sst s10  }
0x32: {  	s10 =	sld [smem:$0x3FB2];
	_ =	sdelay $0x3  }
0x33: {  	p0 =	seq.s32 s10, $0x1;
	s10 =	sld [smem:$0x3FB4];
	_ =	sdelay $0x3  }
0x34: {  	[smem:$0x3FB4] =	sst s10  }
0x35: {  	s10 =	sld [smem:$0x3FB3];
	_ =	sdelay $0x3  }
0x36: {  	p1 =	seq.s32 s10, $0x1;
	s10 =	sld [smem:$0x3FB4];
	_ =	sdelay $0x3  }
0x37: {  	[smem:$0x3FB4] =	sst s10  }
0x38: {  	s10 =	sld [smem:$0x3FB5]  }
0x39: {  	_ = 	snop;
	(pc) =	sbr.ind lr, $3  }
0x3a: {  	_ = 	snop  }
0x3b: {  	_ = 	snop  }
0x3c: {  	p2 =	seq.s32 s10, $0x1;
	s10 =	sld [smem:$0x3FB4]  }
0x3d: {  	_ =	shalt  }
0x3e: {  	_ =	shalt  }
0x3f: {  	_ =	shalt  }
0x40: {  	_ =	shalt  }
0x41: {  	_ =	shalt  }
0x42: {  	_ =	shalt  }
0x43: {  	_ =	shalt  }
0x44: {  	_ =	shalt  }
0x45: {  	_ =	shalt  }
0x46: {  	_ =	shalt  }
0x47: {  	_ =	shalt  }
0x48: {  	_ =	shalt  }
0x49: {  	_ =	shalt  }
0x4a: {  	_ =	shalt  }
0x4b: {  	_ =	shalt  }
0x4c: {  	_ =	shalt  }
0x4d: {  	_ =	shalt  }
0x4e: {  	_ =	shalt  }
0x4f: {  	_ =	shalt  }
0x50: {  	_ =	shalt  }
0x51: {  	_ =	shalt  }
0x52: {  	_ =	shalt  }
0x53: {  	_ =	shalt  }
0x54: {  	_ =	shalt  }
0x55: {  	_ =	shalt  }
0x56: {  	_ =	shalt  }
0x57: {  	_ =	shalt  }
0x58: {  	_ =	shalt  }
0x59: {  	_ =	shalt  }
0x5a: {  	_ =	shalt  }
0x5b: {  	_ =	shalt  }
0x5c: {  	_ =	shalt  }
0x5d: {  	_ =	shalt  }
0x5e: {  	_ =	shalt  }
0x5f: {  	_ =	shalt  }
0x60: {  	_ =	shalt  }
0x61: {  	_ =	shalt  }
0x62: {  	_ =	shalt  }
0x63: {  	_ =	shalt  }
0x64: {  	_ =	shalt  }
0x65: {  	_ =	shalt  }
0x66: {  	_ =	shalt  }
0x67: {  	_ =	shalt  }
0x68: {  	_ =	shalt  }
0x69: {  	_ =	shalt  }
0x6a: {  	_ =	shalt  }
0x6b: {  	_ =	shalt  }
0x6c: {  	_ =	shalt  }
0x6d: {  	_ =	shalt  }
0x6e: {  	_ =	shalt  }
0x6f: {  	_ =	shalt  }
0x70: {  	_ =	shalt  }
0x71: {  	_ =	shalt  }
0x72: {  	_ =	shalt  }
0x73: {  	_ =	shalt  }
0x74: {  	_ =	shalt  }
0x75: {  	_ =	shalt  }
0x76: {  	_ =	shalt  }
0x77: {  	_ =	shalt  }
0x78: {  	_ =	shalt  }
0x79: {  	_ =	shalt  }
0x7a: {  	_ =	shalt  }
0x7b: {  	_ =	shalt  }
0x7c: {  	_ =	shalt  }
0x7d: {  	_ =	shalt  }
0x7e: {  	_ =	shalt  }
0x7f: {  	_ =	shalt  }
0x80: {  	_ =	shalt  }
0x81: {  	_ =	shalt  }
0x82: {  	_ =	shalt  }
0x83: {  	_ =	shalt  }
0x84: {  	_ =	shalt  }
0x85: {  	_ =	shalt  }
0x86: {  	_ =	shalt  }
0x87: {  	_ =	shalt  }
.Lfunc_end0:
.L_simem_size_0:
called_computation_lowered:
.L_overlay_start_0:
0x88: {  	s2 =	sld [smem:$0x3FD9]  }
0x89: {  	s3 =	sld [smem:$0x3FFE];
	_ =	sdelay $0x1  }
0x8a: {  	s1 =	srdreg.scid  }
0x8b: {  	s0 =	sand.u32 $0x1, s1  }
0x8c: {  	s17 =	sshll.u32 s0, $0xA;
	s2 =	sadd.s32 s3, s2  }
0x8d: {  	s2 =	sadd.s32 s2, s17  }
0x8e: {  	[smem:$0x3FC0] =	sst s2  }
0x8f: {  	_ = 	snop  }
0x90: {  	s2 =	sld [smem:$0x3FC9]  }
0x91: {  	s18 =	sld [smem:$0x3FD0];
	(tm) =	ssettm $0x1  }
0x92: {  	s4 =	sld [smem:$0x3FFB];
	_ =	sdelay $0x3  }
0x93: {  	_ =	strace s4  }
0x94: {  	s4 =	sld [smem:$0x3FFC];
	_ =	sdelay $0x3  }
0x95: {  	_ =	strace s4  }
0x96: {  	s4 =	sld [smem:$0x3FFD];
	_ =	sdelay $0x3  }
0x97: {  	_ =	strace s4  }
0x98: {  	_ =	strace $0x8FFFFFFF  }
0x99: {  	s19 =	sld [smem:$0x3FDB];
	_ =	sdelay $0x1  }
0x9a: {  	s5 =	simm.s32 $_scs_section_size  }
0x9b: {  	s6 =	simm.s32 $_size__tile_overlayer_lowered;
	s7 =	simm.s32 $_tile_overlayer_lowered  }
0x9c: {  	s22 =	simm.s32 $0x1BFF;
	s21 =	sshll.u32 s7, $0x1;
	s4 =	sadd.s32 s5, s19  }
0x9d: {  	s8 =	simm.s32 $0x0;
	s20 =	sshll.u32 s6, $0x1;
	s6 =	sadd.s32 s21, s4  }
0x9e: {  	[timem:s8], [sflag:s22] =	dma.local [hbm:s6], s20  }
0x9f: {  	_ =	swait.ge [sflag:s22], s20  }
0xa0: {  	s5 =	ssub.s32 $0x0, s20;
	[sflag:s22] =	ssyncset.done $0x0  }
0xa1: {  	[sflag:s22] =	ssyncadd.s32 s5;
	_ =	sdelay $0x1  }
0xa2: {  	s23 =	simm.s32 $0x1B8B  }
0xa3: {  	_ =	swait.ge [sflag:s23], $0x1  }
0xa4: {  	[sflag:s23] =	ssyncset.done $0x0  }
0xa5: {  	s25 =	simm.s32 $0x1B8E;
	s24 =	sld [smem:$0x3FFE];
	[sflag:s23] =	ssyncadd.s32 $0xFFFFFFFF  }
0xa6: {  	s26 =	simm.s32 $execute0_lowered;
	[smem:$0x3FD2] =	sst s25  }
0xa7: {  	s6 =	sshll.u32 s26, $0x1;
	_ =	strace $0x80000046;
	[dreg:$0x1] =	wrdreg $0xFFFFFFFF  }
0xa8: {  	s28 =	simm.s32 $_size_execute0_lowered;
	s4 =	sadd.s32 s4, s6;
	[dreg:$0x0] =	wrdreg $0x0  }
0xa9: {  	s6 =	sshll.u32 s28, $0x1;
	[dreg:$0x2] =	wrdreg s4  }
0xaa: {  	[dreg:$0x3] =	wrdreg s6  }
0xab: {  	[dreg:$0x4] =	wrdreg $0xC0  }
0xac: {  	_ =	task [dreg:s8], $0x5FFFF  }
0xad: {  	[dreg:$0x1] =	wrdreg $0xFFFFFFFF  }
0xae: {  	[dreg:$0x0] =	wrdreg $0x60  }
0xaf: {  	[dreg:$0x2] =	wrdreg s2  }
0xb0: {  	[dreg:$0x3] =	wrdreg s24  }
0xb1: {  	[dreg:$0x4] =	wrdreg s18  }
0xb2: {  	[dreg:$0x5] =	wrdreg $0x9  }
0xb3: {  	_ =	task.clear_ibuf [dreg:s8], $0x6FFFF;
	_ =	strace $0x90000046  }
0xb4: {  	s29 =	simm.s32 $0x9;
	_ =	strace $0x80000048  }
0xb5: {  	_ =	swait.ge [sflag:s29], $0x1  }
0xb6: {  	[sflag:s29] =	ssyncadd.s32 $0xFFFFFFFF  }
0xb7: {  	_ =	strace $0x90000048  }
0xb8: {  	_ =	sfence  }
0xb9: {  	s30 =	sld [smem:$0x0];
	_ =	sdelay $0x2  }
0xba: {  	s31 =	sshll.u32 s1, $0xD;
	s1 =	sshrl.u32 s1, $0x2  }
0xbb: {  	s3 =	sand.u32 $0x4000, s31;
	s1 =	sadd.s32 s1, s30  }
0xbc: {  	s0 =	sor.u32 s3, s0;
	s1 =	sshll.u32 s1, $0x11  }
0xbd: {  	s0 =	sor.u32 s1, s0  }
0xbe: {  	s0 =	sadd.s32 $0x8F2B, s0  }
0xbf: {  	[sflag:s0] =	ssyncadd.remote.s32 $0x1  }
0xc0: {  	_ =	sfence.sel $0xFFFF  }
0xc1: {  	[dreg:$0x0] =	wrdreg $0xFFFFFFFF;
	(pc) =	sbr.abs _section_cstart, $3  }
0xc2: {  	[dreg:$0x1] =	wrdreg $0xFFFFFFFF  }
0xc3: {  	_ =	task.clear_ibuf [dreg:s8], $0x2FFFF;
	_ =	strace $0x9FFFFFFF  }
0xc4: {  	(tm) =	ssettm $0x7FFFFFFF  }
0xc5: {  	_ =	shalt  }
tec
execute0_lowered:
.L_overlay_start_1:
0x0: {  	(tag) =	ssettag $0x1  }
0x1: {  	s0 =	rddreg [dreg:$0x0]  }
0x2: {  	s4 =	rddreg [dreg:$0x1]  }
0x3: {  	s2 =	rddreg [dreg:$0x2];
	s3 =	srdreg.scid  }
0x4: {  	s1 =	stileid.u32;
	s24 =	simm.s32 $0x880;
	s25 =	simm.s32 $0x1080  }
0x5: {  	s26 =	simm.s32 $0x1880;
	s11 =	simm.s32 $0x2880;
	s12 =	simm.s32 $0x3080  }
0x6: {  	s13 =	simm.s32 $0x3880;
	s14 =	simm.s32 $0x4080;
	s15 =	simm.s32 $0x4880  }
0x7: {  	s16 =	simm.s32 $0x5080;
	s17 =	simm.s32 $0x5880;
	s18 =	simm.s32 $0x6080  }
0x8: {  	s19 =	simm.s32 $0x6880;
	s20 =	simm.s32 $0x7080;
	s28 =	simm.s32 $0xA880  }
0x9: {  	s29 =	simm.s32 $0xB080;
	s5 =	sand.u32 $0x1, s3;
	s3 =	simm.s32 $0x0  }
0xa: {  	s30 =	simm.s32 $0xB880;
	s9 =	sadd.s32 $0xA400, s4;
	[smem:$0x7FF] =	sst s3  }
0xb: {  	s31 =	simm.s32 $0x40;
	_ =	strace $0x80000047;
	[dreg:$0x4] =	wrdreg s9  }
0xc: {  	s6 =	sshll.u32 s1, $0x7;
	s7 =	sshll.u32 s5, $0x6;
	[dreg:$0x8] =	wrdreg s24  }
0xd: {  	s5 =	ssub.s32 $0x2, s5;
	s6 =	sor.u32 s7, s6;
	[dreg:$0x9] =	wrdreg s25  }
0xe: {  	s22 =	sshrl.u32 s5, $0x1;
	s9 =	simm.s32 $0xC080;
	[dreg:$0xa] =	wrdreg s26  }
0xf: {  	s24 =	simm.s32 $0x9080;
	s7 =	sshll.u32 s6, $0x4;
	s6 =	sshrl.u32 s6, $0x3  }
0x10: {  	s25 =	simm.s32 $0x9880;
	s26 =	simm.s32 $0xA080;
	s8 =	sadd.s32 s6, s4  }
0x11: {  	s6 =	smul.u32 $0x300, s6;
	s4 =	sadd.s32 s7, s4;
	s7 =	simm.s32 $0x2  }
0x12: {  	s21 =	sadd.s32 $0xA200, s8;
	s23 =	sadd.s32 $0x2200, s4;
	s4 =	sadd.s32 $0x100, s2  }
0x13: {  	s8 =	simm.s32 $0x80;
	[dreg:$0x5] =	wrdreg s21;
	s0 =	sadd.s32 s0, s6  }
0x14: {  	v2 =	vlaneseq.u32;
	s6 =	ssub.s32 s5, s22;
	[dreg:$0x7] =	wrdreg s23;
	s5 =	sadd.s32 $0x200, s2  }
0x15: {  	vm0 =	vmmov $0xffff;
	v1 =	vshrl.u32 v2, $0x3;
	s21 =	simm.s32 $0x7880;
	s22 =	simm.s32 $0x8080;
	s23 =	simm.s32 $0x8880  }
0x16: {  	v0 =	vand.u32 $0x7, v2;
	v2 =	vor.u32 $0x8, v2;
	v1 =	vmul.u32 $0x8, v1;
	[dreg:$0x6] =	wrdreg s0;
	s6 =	smax.u32 s6, $0x1;
	s0 =	simm.s32 $0x1  }
.LBB2_1:
0x17: {  	s1 =	rddreg [dreg:$0x5]  }
0x18: {  	[tilespmem:s3], [sflag:$0x2] =	stream.linear.gather [hbm4b:s1+s3], $0x40, $0x38;
	[tilespmem:$0xE080] =	vst v63  }
0x19: {  	_ =	swait.ge [sflag:s7], $0x40  }
0x1a: {  	[sflag:s7] =	ssyncset.done $0x0  }
0x1b: {  	s10 =	rddreg [dreg:$0x6];
	[sflag:s7] =	ssyncadd.s32 $0xFFFFFFC0  }
0x1c: {  	[tilespmem:s8], [sflag:$0x2] =	stream.linear.gather [hbm4b:s10+s3], $0xC000, $0x38;
	[tilespmem:$0xE080] =	vst v63  }
0x1d: {  	_ =	swait.ge [sflag:s7], $0xC000  }
0x1e: {  	[sflag:s7] =	ssyncset.done $0x0  }
0x1f: {  	s10 =	rddreg [dreg:$0x7];
	[sflag:s7] =	ssyncadd.s32 $0xFFFF4000  }
0x20: {  	[tilespmem:s9], [sflag:$0x2] =	stream.linear.gather [hbm4b:s10+s3], $0x2000, $0x38;
	[tilespmem:$0xE080] =	vst v63  }
0x21: {  	_ =	swait.ge [sflag:s7], $0x2000  }
0x22: {  	[sflag:s7] =	ssyncset.done $0x0  }
0x23: {  	[sflag:s7] =	ssyncadd.s32 $0xFFFFE000  }
0x24: {  	v3 =	vld [tilespmem:$0x0];
	_ =	sdelay $0x4  }
0x25: {  	v4 =	vshrl.u32 v3, $0x3  }
0x26: {  	v4 =	vmul.u32 $0x30, v4  }
0x27: {  	v3 =	vand.u32 $0x7, v3  }
0x28: {  	v3 =	vor.u32 v3, v4  }
0x29: {  	v4 =	vperm.xlane v3, v0;
	_ =	sdelay $0x1  }
0x2a: {  	v4 =	vadd.s32 v1, v4;
	_ =	sdelay $0x3  }
0x2b: {  	v3 =	vperm.xlane v3, v2  }
0x2c: {  	[hbm4b:s2+s3] =	stream.indirect_vreg.scatter [tilespmem:s8], [sflag:$0x1], $0x80, v4, vm0, $0xb8;
	[tilespmem:$0xE080] =	vst v63  }
0x2d: {  	s1 =	rddreg [dreg:$0x8];
	v3 =	vadd.s32 v1, v3  }
0x2e: {  	[hbm4b:s4+s3] =	stream.indirect_vreg.scatter [tilespmem:s1], [sflag:$0x1], $0x80, v4, vm0, $0xb8;
	[tilespmem:$0xE080] =	vst v63  }
0x2f: {  	s10 =	rddreg [dreg:$0x9]  }
0x30: {  	[hbm4b:s5+s3] =	stream.indirect_vreg.scatter [tilespmem:s10], [sflag:$0x1], $0x80, v4, vm0, $0xb8;
	[tilespmem:$0xE080] =	vst v63  }
0x31: {  	s1 =	rddreg [dreg:$0xa]  }
0x32: {  	[hbm4b:s2+s3] =	stream.indirect_vreg.scatter [tilespmem:s1], [sflag:$0x1], $0x80, v3, vm0, $0xb8;
	[tilespmem:$0xE080] =	vst v63  }
0x33: {  	s10 =	simm.s32 $0x2080  }
0x34: {  	[hbm4b:s4+s3] =	stream.indirect_vreg.scatter [tilespmem:s10], [sflag:$0x1], $0x80, v3, vm0, $0xb8;
	[tilespmem:$0xE080] =	vst v63  }
0x35: {  	_ = 	snop  }
0x36: {  	[hbm4b:s5+s3] =	stream.indirect_vreg.scatter [tilespmem:s11], [sflag:$0x1], $0x80, v3, vm0, $0xb8;
	[tilespmem:$0xE080] =	vst v63  }
0x37: {  	v3 =	vld [tilespmem:$0x10];
	_ =	sdelay $0x4  }
0x38: {  	v61 =	vshrl.u32 v3, $0x3  }
0x39: {  	v4 =	vmul.u32 $0x30, v61  }
0x3a: {  	v3 =	vand.u32 $0x7, v3  }
0x3b: {  	v3 =	vor.u32 v3, v4  }
0x3c: {  	v4 =	vperm.xlane v3, v0;
	_ =	sdelay $0x1  }
0x3d: {  	v4 =	vadd.s32 v1, v4;
	_ =	sdelay $0x3  }
0x3e: {  	v3 =	vperm.xlane v3, v2  }
0x3f: {  	[hbm4b:s2+s3] =	stream.indirect_vreg.scatter [tilespmem:s12], [sflag:$0x1], $0x80, v4, vm0, $0xb8;
	[tilespmem:$0xE080] =	vst v63  }
0x40: {  	v3 =	vadd.s32 v1, v3  }
0x41: {  	[hbm4b:s4+s3] =	stream.indirect_vreg.scatter [tilespmem:s13], [sflag:$0x1], $0x80, v4, vm0, $0xb8;
	[tilespmem:$0xE080] =	vst v63  }
0x42: {  	_ = 	snop  }
0x43: {  	[hbm4b:s5+s3] =	stream.indirect_vreg.scatter [tilespmem:s14], [sflag:$0x1], $0x80, v4, vm0, $0xb8;
	[tilespmem:$0xE080] =	vst v63  }
0x44: {  	_ = 	snop  }
0x45: {  	[hbm4b:s2+s3] =	stream.indirect_vreg.scatter [tilespmem:s15], [sflag:$0x1], $0x80, v3, vm0, $0xb8;
	[tilespmem:$0xE080] =	vst v63  }
0x46: {  	_ = 	snop  }
0x47: {  	[hbm4b:s4+s3] =	stream.indirect_vreg.scatter [tilespmem:s16], [sflag:$0x1], $0x80, v3, vm0, $0xb8;
	[tilespmem:$0xE080] =	vst v63  }
0x48: {  	_ = 	snop  }
0x49: {  	[hbm4b:s5+s3] =	stream.indirect_vreg.scatter [tilespmem:s17], [sflag:$0x1], $0x80, v3, vm0, $0xb8;
	[tilespmem:$0xE080] =	vst v63  }
0x4a: {  	v3 =	vld [tilespmem:$0x20];
	_ =	sdelay $0x4  }
0x4b: {  	v62 =	vshrl.u32 v3, $0x3  }
0x4c: {  	v4 =	vmul.u32 $0x30, v62  }
0x4d: {  	v3 =	vand.u32 $0x7, v3  }
0x4e: {  	v3 =	vor.u32 v3, v4  }
0x4f: {  	v4 =	vperm.xlane v3, v0;
	_ =	sdelay $0x1  }
0x50: {  	v4 =	vadd.s32 v1, v4;
	_ =	sdelay $0x3  }
0x51: {  	v3 =	vperm.xlane v3, v2  }
0x52: {  	[hbm4b:s2+s3] =	stream.indirect_vreg.scatter [tilespmem:s18], [sflag:$0x1], $0x80, v4, vm0, $0xb8;
	[tilespmem:$0xE080] =	vst v63  }
0x53: {  	v3 =	vadd.s32 v1, v3  }
0x54: {  	[hbm4b:s4+s3] =	stream.indirect_vreg.scatter [tilespmem:s19], [sflag:$0x1], $0x80, v4, vm0, $0xb8;
	[tilespmem:$0xE080] =	vst v63  }
0x55: {  	_ = 	snop  }
0x56: {  	[hbm4b:s5+s3] =	stream.indirect_vreg.scatter [tilespmem:s20], [sflag:$0x1], $0x80, v4, vm0, $0xb8;
	[tilespmem:$0xE080] =	vst v63  }
0x57: {  	_ = 	snop  }
0x58: {  	[hbm4b:s2+s3] =	stream.indirect_vreg.scatter [tilespmem:s21], [sflag:$0x1], $0x80, v3, vm0, $0xb8;
	[tilespmem:$0xE080] =	vst v63  }
0x59: {  	_ = 	snop  }
0x5a: {  	[hbm4b:s4+s3] =	stream.indirect_vreg.scatter [tilespmem:s22], [sflag:$0x1], $0x80, v3, vm0, $0xb8;
	[tilespmem:$0xE080] =	vst v63  }
0x5b: {  	_ = 	snop  }
0x5c: {  	[hbm4b:s5+s3] =	stream.indirect_vreg.scatter [tilespmem:s23], [sflag:$0x1], $0x80, v3, vm0, $0xb8;
	[tilespmem:$0xE080] =	vst v63  }
0x5d: {  	v3 =	vld [tilespmem:$0x30];
	_ =	sdelay $0x4  }
0x5e: {  	v63 =	vshrl.u32 v3, $0x3  }
0x5f: {  	v4 =	vmul.u32 $0x30, v63  }
0x60: {  	v3 =	vand.u32 $0x7, v3  }
0x61: {  	v3 =	vor.u32 v3, v4  }
0x62: {  	v4 =	vperm.xlane v3, v0;
	_ =	sdelay $0x1  }
0x63: {  	v4 =	vadd.s32 v1, v4;
	_ =	sdelay $0x3  }
0x64: {  	v3 =	vperm.xlane v3, v2  }
0x65: {  	[hbm4b:s2+s3] =	stream.indirect_vreg.scatter [tilespmem:s24], [sflag:$0x1], $0x80, v4, vm0, $0xb8;
	[tilespmem:$0xE080] =	vst v63  }
0x66: {  	v3 =	vadd.s32 v1, v3  }
0x67: {  	[hbm4b:s4+s3] =	stream.indirect_vreg.scatter [tilespmem:s25], [sflag:$0x1], $0x80, v4, vm0, $0xb8;
	[tilespmem:$0xE080] =	vst v63  }
0x68: {  	_ = 	snop  }
0x69: {  	[hbm4b:s5+s3] =	stream.indirect_vreg.scatter [tilespmem:s26], [sflag:$0x1], $0x80, v4, vm0, $0xb8;
	[tilespmem:$0xE080] =	vst v63  }
0x6a: {  	_ = 	snop  }
0x6b: {  	[hbm4b:s2+s3] =	stream.indirect_vreg.scatter [tilespmem:s28], [sflag:$0x1], $0x80, v3, vm0, $0xb8;
	[tilespmem:$0xE080] =	vst v63  }
0x6c: {  	_ = 	snop  }
0x6d: {  	[hbm4b:s4+s3] =	stream.indirect_vreg.scatter [tilespmem:s29], [sflag:$0x1], $0x80, v3, vm0, $0xb8;
	[tilespmem:$0xE080] =	vst v63  }
0x6e: {  	_ = 	snop  }
0x6f: {  	[hbm4b:s5+s3] =	stream.indirect_vreg.scatter [tilespmem:s30], [sflag:$0x1], $0x80, v3, vm0, $0xb8;
	[tilespmem:$0xE080] =	vst v63  }
0x70: {  	s10 =	rddreg [dreg:$0x4]  }
0x71: {  	[hbm4b:s10+s31] =	stream.indirect.scatter [tilespmem:s9], [sflag:$0x1], $0x80, s3, s31, $0xb8;
	[tilespmem:$0xE080] =	vst v63  }
0x72: {  	p0 =	sne.s32 s6, $0x1;
	_ =	swait.ge [sflag:s0], $0xC000  }
.Ltmp0:
0x73: {  	[sflag:s0] =	ssyncset.done $0x0;
	(pc) =	sbr.rel @p0 .LBB2_1-.Ltmp0, $4  }
0x74: {  	[sflag:s0] =	ssyncadd.s32 $0xFFFF4000  }
0x75: {  	_ =	swait.ge [sflag:s0], $0x2000  }
0x76: {  	[sflag:s0] =	ssyncset.done $0x0  }
0x77: {  	s6 =	sadd.s32 $0xFFFFFFFF, s6;
	[sflag:s0] =	ssyncadd.s32 $0xFFFFE000  }
0x78: {  	_ =	sfence.sel $0x180000  }
0x79: {  	[bflag:$0x0] =	sbarrier.arrive $0xFFFF  }
0x7a: {  	_ =	strace $0x90000047  }
0x7b: {  	s0 =	stileid.u32;
	[bflag:$0x2] =	sbarrier.arrive $0xFFFF  }
0x7c: {  	p0 =	sne.s32 s0, $0x0;
	s0 =	rddreg [dreg:$0x3]  }
0x7d: {  	s0 =	sadd.s32 @!p0 $0x100000, s0  }
0x7e: {  	[sflag:s0] =	ssyncadd.tile.s32 @!p0 $0x1;
	_ =	shalt  }
.Lfunc_end2:
_tile_overlayer_lowered:
.L_overlay_start_2:
0x7f: {  	(tag) =	ssettag $0x2  }
0x80: {  	s0 =	rddreg [dreg:$0x0];
	s2 =	stileid.u32  }
0x81: {  	s1 =	rddreg [dreg:$0x1];
	p0 =	sne.s32 s2, $0x0  }
0x82: {  	s3 =	rddreg [dreg:$0x2];
	[bflag:$0x3] =	sbarrier.arrive $0xFFFF;
	s2 =	simm.s32 @!p0 $0x1C02  }
0x83: {  	[timem:s3], [sflag:s2] =	dma.local @!p0 [hbm:s0], s1  }
0x84: {  	s0 =	simm.s32 @!p0 $0x2  }
0x85: {  	_ =	swait.ge @!p0 [sflag:s0], s1  }
0x86: {  	s1 =	ssub.s32 @!p0 $0x0, s1;
	[sflag:s0] =	ssyncset.done @!p0 $0x0  }
0x87: {  	[sflag:s0] =	ssyncadd.s32 @!p0 s1  }
0x88: {  	[bflag:$0x3] =	sbarrier.arrive $0xFFFF  }
0x89: {  	_ =	shalt  }

</sc_bundles>
